<compile_context>
chip_gen: v7x
topology: tpu7x:2x2x1
jax: 0.10.2.dev20260603
libtpu: 0.0.44.dev20260713+nightly
codegen_flags: <defaults>
</compile_context>

<pallas_src>
import functools

import jax
import jax.numpy as jnp
from jax import lax
from jax.experimental import pallas as pl
from jax.experimental.pallas import tpu as pltpu
from jax.experimental.pallas import tpu_sc as plsc

_EPS = 1e-12
_NC = 2
_NS = 16
_NW = _NC * _NS


def _pick_chunk(n_per_w):
    for c in range(128, 0, -8):
        if n_per_w % c == 0:
            return c
    raise ValueError(n_per_w)


def _sc_gather(table, idx):
    n = idx.shape[0]
    d = table.shape[1]
    n_per_w = n // _NW
    chunk = _pick_chunk(n_per_w)
    n_chunks = n_per_w // chunk
    idx3 = idx.reshape(_NW, n_chunks, chunk)

    mesh = plsc.VectorSubcoreMesh(
        core_axis_name="c", subcore_axis_name="s",
        num_cores=_NC, num_subcores=_NS)

    @functools.partial(
        pl.kernel,
        out_type=jax.ShapeDtypeStruct((n, d), jnp.float32),
        mesh=mesh,
        scratch_types=[
            pltpu.VMEM((n_chunks, chunk), jnp.int32),
            pltpu.VMEM((chunk, d), jnp.float32),
            pltpu.VMEM((chunk, d), jnp.float32),
            pltpu.SemaphoreType.DMA,
            pltpu.SemaphoreType.DMA,
        ],
        compiler_params=pltpu.CompilerParams(use_tc_tiling_on_sc=True),
    )
    def gather_kernel(table_hbm, idx_hbm, out_hbm, idx_v, buf0, buf1, sem0, sem1):
        wid = lax.axis_index("s") * _NC + lax.axis_index("c")
        pltpu.sync_copy(idx_hbm.at[wid], idx_v)
        bufs = (buf0, buf1)
        sems = (sem0, sem1)
        base = wid * n_per_w
        cps = [None] * n_chunks
        cps[0] = pltpu.async_copy(table_hbm.at[idx_v.at[0]], bufs[0], sems[0])
        for j in range(n_chunks):
            if j + 1 < n_chunks:
                cps[j + 1] = pltpu.async_copy(
                    table_hbm.at[idx_v.at[j + 1]], bufs[(j + 1) % 2], sems[(j + 1) % 2])
            cps[j].wait()
            pltpu.sync_copy(bufs[j % 2], out_hbm.at[pl.ds(base + j * chunk, chunk)])

    return gather_kernel(table, idx3)


def _tc_work(maxpos, m, r, ent_ref, pid_ref, pos_ref, w_ref, g_ref, b_ref,
             out_ref):
    ent = ent_ref[...].astype(jnp.bfloat16)
    proj = jnp.dot(ent, w_ref[...], preferred_element_type=jnp.float32)
    pid = pid_ref[...]
    iota = lax.broadcasted_iota(jnp.int32, (r, maxpos), 1)
    counts = jnp.zeros((r, maxpos), jnp.bfloat16)
    for j in range(m):
        counts += (pid[:, j:j + 1] == iota).astype(jnp.bfloat16)
    possum = jnp.dot(counts, pos_ref[...], preferred_element_type=jnp.float32)
    denom = jnp.maximum(
        jnp.sum((pid != 0).astype(jnp.float32), axis=1, keepdims=True), 1.0)
    x = proj + possum * (1.0 / denom)
    mu = jnp.mean(x, axis=-1, keepdims=True)
    xc = x - mu
    var = jnp.mean(xc * xc, axis=-1, keepdims=True)
    y = xc * lax.rsqrt(var + _EPS) * g_ref[...] + b_ref[...]
    out_ref[...] = y.reshape(1, r, y.shape[-1])


def _tc_body(maxpos, m, r, ent_ref, pid_ref, pos_ref, w_ref, g_ref, b_ref,
             out_ref):
    _tc_work(maxpos, m, r, ent_ref, pid_ref, pos_ref, w_ref, g_ref, b_ref,
             out_ref)


def _tc_body_carry(maxpos, m, r, ent_ref, pid_ref, pos_ref, w_ref, g_ref,
                   b_ref, carry_ref, out_ref):
    del carry_ref
    _tc_work(maxpos, m, r, ent_ref, pid_ref, pos_ref, w_ref, g_ref, b_ref,
             out_ref)


def _tc_compute(gathered, pid, pos_table, dense_w, gamma2d, beta2d, b, l_out,
                l0, carry=None, *, interpret=False):
    n, emb = gathered.shape
    maxpos, hid = pos_table.shape
    m = pid.shape[1]
    r = b
    nl = n // b
    in_specs = [
        pl.BlockSpec((r, emb), lambda i: (i, 0)),
        pl.BlockSpec((r, m), lambda i: (i, 0)),
        pl.BlockSpec((maxpos, hid), lambda i: (0, 0)),
        pl.BlockSpec((emb, hid), lambda i: (0, 0)),
        pl.BlockSpec((1, hid), lambda i: (0, 0)),
        pl.BlockSpec((1, hid), lambda i: (0, 0)),
    ]
    args = [gathered, pid, pos_table, dense_w, gamma2d, beta2d]
    if carry is None:
        body = functools.partial(_tc_body, maxpos, m, r)
        aliases = {}
    else:
        body = functools.partial(_tc_body_carry, maxpos, m, r)
        in_specs.append(pl.BlockSpec(memory_space=pltpu.MemorySpace.HBM))
        args.append(carry)
        aliases = {6: 0}
    return pl.pallas_call(
        body,
        grid=(nl,),
        in_specs=in_specs,
        out_specs=pl.BlockSpec((1, r, hid), lambda i: (i + l0, 0, 0)),
        out_shape=jax.ShapeDtypeStruct((l_out, b, hid), jnp.float32),
        input_output_aliases=aliases,
        interpret=interpret,
    )(*args)


def kernel(entity_ids, entity_position_ids, entity_table, pos_table, dense_w,
           ln_gamma, ln_beta):
    b, l = entity_ids.shape
    m = entity_position_ids.shape[-1]
    hid = pos_table.shape[1]
    n = b * l
    splits = [(0, l // 2), (l // 2, l)] if l % 2 == 0 else [(0, l)]
    ids_t = entity_ids.T.astype(jnp.int32)
    pid3 = entity_position_ids.transpose(1, 0, 2).astype(jnp.int32)
    pos_bf = pos_table.astype(jnp.bfloat16)
    w_bf = dense_w.astype(jnp.bfloat16)
    g2 = ln_gamma.reshape(1, hid)
    b2 = ln_beta.reshape(1, hid)

    gathered = [
        _sc_gather(entity_table, ids_t[l0:l1].reshape((l1 - l0) * b))
        for l0, l1 in splits
    ]
    out = None
    for g, (l0, l1) in zip(gathered, splits):
        out = _tc_compute(g, pid3[l0:l1].reshape((l1 - l0) * b, m),
                          pos_bf, w_bf, g2, b2, b, l, l0, carry=out)
    return out.transpose(1, 0, 2)

# --- scband reference (transcript-rebuilt; emitter-appended) ---
"""Pipeline reference for scband-entity-embeddings-1778116460592 (READ-ONLY COPY).

The authoritative reference and input builder live on the scoring server;
editing this copy changes nothing except your own understanding.
"""

import jax, jax.numpy as jnp
import numpy as np

VOCAB = 100000
EMB = 256
MAXPOS = 512
HID = 768
EPS = 1e-12
B = 1024
L = 20
M = 8


def setup_inputs(seed: int = 0) -> dict:
    key = jax.random.key(seed)
    k1, k2, k3, k4, k5 = jax.random.split(key, 5)
    entity_ids = jax.random.randint(k1, (B, L), 0, VOCAB)
    entity_position_ids = jax.random.randint(k2, (B, L, M), 0, MAXPOS)
    # frozen entity embedding table, padding_idx=0 -> row 0 is zeros
    entity_table = jax.random.normal(k3, (VOCAB, EMB), dtype=jnp.float32) * 0.02
    entity_table = entity_table.at[0].set(0.0)
    # position embedding table, padding_idx=0 -> row 0 is zeros
    pos_table = jax.random.normal(k4, (MAXPOS, HID), dtype=jnp.float32) * 0.02
    pos_table = pos_table.at[0].set(0.0)
    # nn.Linear(entity_embedding_size, hidden_size, bias=False); stored as [in, out]
    dense_w = jax.random.normal(k5, (EMB, HID), dtype=jnp.float32) * (1.0 / np.sqrt(EMB))
    ln_gamma = jnp.ones((HID,), jnp.float32)
    ln_beta = jnp.zeros((HID,), jnp.float32)
    return {
        "entity_ids": entity_ids,
        "entity_position_ids": entity_position_ids,
        "entity_table": entity_table,
        "pos_table": pos_table,
        "dense_w": dense_w,
        "ln_gamma": ln_gamma,
        "ln_beta": ln_beta,
    }


def reference(entity_ids, entity_position_ids, entity_table, pos_table, dense_w, ln_gamma, ln_beta):
    # entity_embeds is None -> use the entity id embedding lookup path
    entity_embeddings = jnp.take(entity_table, entity_ids, axis=0)          # [B, L, EMB]
    entity_embeddings = entity_embeddings @ dense_w                          # [B, L, HID]
    # position embeddings: gather per mention-span position, mean over nonzero positions
    pos_emb = jnp.take(pos_table, entity_position_ids, axis=0)               # [B, L, M, HID]
    pos_sum = jnp.sum(pos_emb, axis=2)                                       # [B, L, HID]
    denom = jnp.clip(jnp.sum(entity_position_ids != 0, axis=2), 1, None)
    denom = denom.astype(jnp.float32)[..., None]                             # [B, L, 1]
    entity_embeddings = entity_embeddings + pos_sum / denom
    # LayerNorm over last dim
    mu = jnp.mean(entity_embeddings, axis=-1, keepdims=True)
    var = jnp.mean((entity_embeddings - mu) ** 2, axis=-1, keepdims=True)
    out = (entity_embeddings - mu) / jnp.sqrt(var + EPS) * ln_gamma + ln_beta
    # dropout p=0.0 (eval) -> identity
    return out

if __name__ == "__main__":
    import jax
    _d = setup_inputs()
    print(jax.jit(kernel)(*tuple(_d.values())))

</pallas_src>

<mosaic_0001>
#map = affine_map<(d0, d1) -> (0, 0)>
#map1 = affine_map<(d0, d1) -> (0, 0, 0)>
module attributes {stable_mosaic.version = 14 : i64} {
  func.func @gather_kernel(%arg0: i32, %arg1: i32, %arg2: memref<100000x256xf32, #tpu.memory_space<hbm>>, %arg3: memref<32x4x80xi32, #tpu.memory_space<hbm>>, %arg4: memref<10240x256xf32, #tpu.memory_space<hbm>>, %arg5: memref<4x80xi32, #tpu.memory_space<vmem>>, %arg6: memref<80x256xf32, #tpu.memory_space<vmem>>, %arg7: memref<80x256xf32, #tpu.memory_space<vmem>>, %arg8: memref<!tpu.dma_semaphore, #tpu.memory_space<semaphore_mem>>, %arg9: memref<!tpu.dma_semaphore, #tpu.memory_space<semaphore_mem>>) attributes {dimension_semantics = [#tpu.dimension_semantics<core_parallel>, #tpu.dimension_semantics<subcore_parallel>], iteration_bounds = array<i64: 2, 16>, scalar_prefetch = 0 : i64, scratch_operands = 5 : i64, tpu.core_type = #tpu.core_type<sc_vector_subcore>, window_params = [{transform_indices = #map}, {transform_indices = #map1}, {transform_indices = #map}]} {
    %mul3A = arith.constant 2 : i32
    %mul3A_0 = arith.muli %arg1, %mul3A : i32
    %add3A = arith.addi %mul3A_0, %arg0 : i32
    "tpu.region"() ({
      %run_scoped3A = tpu.sem_alloc : memref<!tpu.dma_semaphore, #tpu.memory_space<semaphore_mem>>
      %dma_start3A_65 = arith.constant 0 : i32
      %dma_start3A_66 = arith.constant 0 : i32
      %dma_start3A_67 = tpu.memref_slice %arg3[%add3A, %dma_start3A_65, %dma_start3A_66] : memref<32x4x80xi32, #tpu.memory_space<hbm>> -> memref<1x4x80xi32, #tpu.memory_space<hbm>>
      %dma_start3A_68 = tpu.memref_squeeze %dma_start3A_67 : memref<1x4x80xi32, #tpu.memory_space<hbm>> -> memref<4x80xi32, #tpu.memory_space<hbm>>
      %dma_start3A_69 = arith.constant 0 : i32
      %dma_start3A_70 = arith.constant 0 : i32
      %dma_start3A_71 = tpu.memref_slice %arg3[%add3A, %dma_start3A_69, %dma_start3A_70] : memref<32x4x80xi32, #tpu.memory_space<hbm>> -> memref<1x4x80xi32, #tpu.memory_space<hbm>>
      %dma_start3A_72 = tpu.memref_squeeze %dma_start3A_71 : memref<1x4x80xi32, #tpu.memory_space<hbm>> -> memref<4x80xi32, #tpu.memory_space<hbm>>
      tpu.enqueue_dma source(%dma_start3A_72 : memref<4x80xi32, #tpu.memory_space<hbm>>) target(%arg5 : memref<4x80xi32, #tpu.memory_space<vmem>>) target_semaphore(%run_scoped3A : memref<!tpu.dma_semaphore, #tpu.memory_space<semaphore_mem>>)
      %dma_wait3A_73 = arith.constant 0 : i32
      %dma_wait3A_74 = arith.constant 0 : i32
      %dma_wait3A_75 = tpu.memref_slice %arg3[%add3A, %dma_wait3A_73, %dma_wait3A_74] : memref<32x4x80xi32, #tpu.memory_space<hbm>> -> memref<1x4x80xi32, #tpu.memory_space<hbm>>
      %dma_wait3A_76 = tpu.memref_squeeze %dma_wait3A_75 : memref<1x4x80xi32, #tpu.memory_space<hbm>> -> memref<4x80xi32, #tpu.memory_space<hbm>>
      %dma_wait3A_77 = arith.constant 0 : i32
      %dma_wait3A_78 = arith.constant 0 : i32
      %dma_wait3A_79 = tpu.memref_slice %arg3[%add3A, %dma_wait3A_77, %dma_wait3A_78] : memref<32x4x80xi32, #tpu.memory_space<hbm>> -> memref<1x4x80xi32, #tpu.memory_space<hbm>>
      %dma_wait3A_80 = tpu.memref_squeeze %dma_wait3A_79 : memref<1x4x80xi32, #tpu.memory_space<hbm>> -> memref<4x80xi32, #tpu.memory_space<hbm>>
      tpu.wait_dma2 semaphore(%run_scoped3A : memref<!tpu.dma_semaphore, #tpu.memory_space<semaphore_mem>>) src(%dma_wait3A_80 : memref<4x80xi32, #tpu.memory_space<hbm>>) dst(%arg5 : memref<4x80xi32, #tpu.memory_space<vmem>>)
      tpu.yield
    }) : () -> ()
    %mul3A_1 = arith.constant 320 : i32
    %mul3A_2 = arith.muli %add3A, %mul3A_1 : i32
    %dma_start3A = arith.constant 0 : i32
    %dma_start3A_3 = arith.constant 0 : i32
    %dma_start3A_4 = tpu.memref_slice %arg5[%dma_start3A, %dma_start3A_3] : memref<4x80xi32, #tpu.memory_space<vmem>> -> memref<1x80xi32, #tpu.memory_space<vmem>>
    %dma_start3A_5 = tpu.memref_squeeze %dma_start3A_4 : memref<1x80xi32, #tpu.memory_space<vmem>> -> memref<80xi32, #tpu.memory_space<vmem>>
    %dma_start3A_6 = arith.constant 0 : i32
    %dma_start3A_7 = arith.constant 0 : i32
    %dma_start3A_8 = tpu.memref_slice %arg2[%dma_start3A_6, %dma_start3A_7] : memref<100000x256xf32, #tpu.memory_space<hbm>> -> memref<100000x256xf32, #tpu.memory_space<hbm>>
    tpu.enqueue_indirect_dma source(%dma_start3A_8 : memref<100000x256xf32, #tpu.memory_space<hbm>>) target(%arg6 : memref<80x256xf32, #tpu.memory_space<vmem>>) offsets(%dma_start3A_5 : memref<80xi32, #tpu.memory_space<vmem>>) semaphore(%arg8 : memref<!tpu.dma_semaphore, #tpu.memory_space<semaphore_mem>>)
    %dma_start3A_9 = arith.constant 1 : i32
    %dma_start3A_10 = arith.constant 0 : i32
    %dma_start3A_11 = tpu.memref_slice %arg5[%dma_start3A_9, %dma_start3A_10] : memref<4x80xi32, #tpu.memory_space<vmem>> -> memref<1x80xi32, #tpu.memory_space<vmem>>
    %dma_start3A_12 = tpu.memref_squeeze %dma_start3A_11 : memref<1x80xi32, #tpu.memory_space<vmem>> -> memref<80xi32, #tpu.memory_space<vmem>>
    %dma_start3A_13 = arith.constant 0 : i32
    %dma_start3A_14 = arith.constant 0 : i32
    %dma_start3A_15 = tpu.memref_slice %arg2[%dma_start3A_13, %dma_start3A_14] : memref<100000x256xf32, #tpu.memory_space<hbm>> -> memref<100000x256xf32, #tpu.memory_space<hbm>>
    tpu.enqueue_indirect_dma source(%dma_start3A_15 : memref<100000x256xf32, #tpu.memory_space<hbm>>) target(%arg7 : memref<80x256xf32, #tpu.memory_space<vmem>>) offsets(%dma_start3A_12 : memref<80xi32, #tpu.memory_space<vmem>>) semaphore(%arg9 : memref<!tpu.dma_semaphore, #tpu.memory_space<semaphore_mem>>)
    %dma_wait3A = arith.constant 0 : i32
    %dma_wait3A_16 = arith.constant 0 : i32
    %dma_wait3A_17 = tpu.memref_slice %arg5[%dma_wait3A, %dma_wait3A_16] : memref<4x80xi32, #tpu.memory_space<vmem>> -> memref<1x80xi32, #tpu.memory_space<vmem>>
    %dma_wait3A_18 = tpu.memref_squeeze %dma_wait3A_17 : memref<1x80xi32, #tpu.memory_space<vmem>> -> memref<80xi32, #tpu.memory_space<vmem>>
    %dma_wait3A_19 = arith.constant 0 : i32
    %dma_wait3A_20 = arith.constant 0 : i32
    %dma_wait3A_21 = tpu.memref_slice %arg2[%dma_wait3A_19, %dma_wait3A_20] : memref<100000x256xf32, #tpu.memory_space<hbm>> -> memref<100000x256xf32, #tpu.memory_space<hbm>>
    tpu.wait_indirect_dma semaphore(%arg8 : memref<!tpu.dma_semaphore, #tpu.memory_space<semaphore_mem>>) src(%dma_wait3A_21 : memref<100000x256xf32, #tpu.memory_space<hbm>>) dst(%arg6 : memref<80x256xf32, #tpu.memory_space<vmem>>)
    %add3A_22 = arith.constant 0 : i32
    %add3A_23 = arith.addi %mul3A_2, %add3A_22 : i32
    "tpu.region"() ({
      %run_scoped3A = tpu.sem_alloc : memref<!tpu.dma_semaphore, #tpu.memory_space<semaphore_mem>>
      %dma_start3A_65 = arith.constant 0 : i32
      %dma_start3A_66 = tpu.memref_slice %arg4[%add3A_23, %dma_start3A_65] : memref<10240x256xf32, #tpu.memory_space<hbm>> -> memref<80x256xf32, #tpu.memory_space<hbm>>
      %dma_start3A_67 = arith.constant 0 : i32
      %dma_start3A_68 = tpu.memref_slice %arg4[%add3A_23, %dma_start3A_67] : memref<10240x256xf32, #tpu.memory_space<hbm>> -> memref<80x256xf32, #tpu.memory_space<hbm>>
      tpu.enqueue_dma source(%arg6 : memref<80x256xf32, #tpu.memory_space<vmem>>) target(%dma_start3A_68 : memref<80x256xf32, #tpu.memory_space<hbm>>) target_semaphore(%run_scoped3A : memref<!tpu.dma_semaphore, #tpu.memory_space<semaphore_mem>>)
      %dma_wait3A_69 = arith.constant 0 : i32
      %dma_wait3A_70 = tpu.memref_slice %arg4[%add3A_23, %dma_wait3A_69] : memref<10240x256xf32, #tpu.memory_space<hbm>> -> memref<80x256xf32, #tpu.memory_space<hbm>>
      %dma_wait3A_71 = arith.constant 0 : i32
      %dma_wait3A_72 = tpu.memref_slice %arg4[%add3A_23, %dma_wait3A_71] : memref<10240x256xf32, #tpu.memory_space<hbm>> -> memref<80x256xf32, #tpu.memory_space<hbm>>
      tpu.wait_dma2 semaphore(%run_scoped3A : memref<!tpu.dma_semaphore, #tpu.memory_space<semaphore_mem>>) src(%arg6 : memref<80x256xf32, #tpu.memory_space<vmem>>) dst(%dma_wait3A_72 : memref<80x256xf32, #tpu.memory_space<hbm>>)
      tpu.yield
    }) : () -> ()
    %dma_start3A_24 = arith.constant 2 : i32
    %dma_start3A_25 = arith.constant 0 : i32
    %dma_start3A_26 = tpu.memref_slice %arg5[%dma_start3A_24, %dma_start3A_25] : memref<4x80xi32, #tpu.memory_space<vmem>> -> memref<1x80xi32, #tpu.memory_space<vmem>>
    %dma_start3A_27 = tpu.memref_squeeze %dma_start3A_26 : memref<1x80xi32, #tpu.memory_space<vmem>> -> memref<80xi32, #tpu.memory_space<vmem>>
    %dma_start3A_28 = arith.constant 0 : i32
    %dma_start3A_29 = arith.constant 0 : i32
    %dma_start3A_30 = tpu.memref_slice %arg2[%dma_start3A_28, %dma_start3A_29] : memref<100000x256xf32, #tpu.memory_space<hbm>> -> memref<100000x256xf32, #tpu.memory_space<hbm>>
    tpu.enqueue_indirect_dma source(%dma_start3A_30 : memref<100000x256xf32, #tpu.memory_space<hbm>>) target(%arg6 : memref<80x256xf32, #tpu.memory_space<vmem>>) offsets(%dma_start3A_27 : memref<80xi32, #tpu.memory_space<vmem>>) semaphore(%arg8 : memref<!tpu.dma_semaphore, #tpu.memory_space<semaphore_mem>>)
    %dma_wait3A_31 = arith.constant 1 : i32
    %dma_wait3A_32 = arith.constant 0 : i32
    %dma_wait3A_33 = tpu.memref_slice %arg5[%dma_wait3A_31, %dma_wait3A_32] : memref<4x80xi32, #tpu.memory_space<vmem>> -> memref<1x80xi32, #tpu.memory_space<vmem>>
    %dma_wait3A_34 = tpu.memref_squeeze %dma_wait3A_33 : memref<1x80xi32, #tpu.memory_space<vmem>> -> memref<80xi32, #tpu.memory_space<vmem>>
    %dma_wait3A_35 = arith.constant 0 : i32
    %dma_wait3A_36 = arith.constant 0 : i32
    %dma_wait3A_37 = tpu.memref_slice %arg2[%dma_wait3A_35, %dma_wait3A_36] : memref<100000x256xf32, #tpu.memory_space<hbm>> -> memref<100000x256xf32, #tpu.memory_space<hbm>>
    tpu.wait_indirect_dma semaphore(%arg9 : memref<!tpu.dma_semaphore, #tpu.memory_space<semaphore_mem>>) src(%dma_wait3A_37 : memref<100000x256xf32, #tpu.memory_space<hbm>>) dst(%arg7 : memref<80x256xf32, #tpu.memory_space<vmem>>)
    %add3A_38 = arith.constant 80 : i32
    %add3A_39 = arith.addi %mul3A_2, %add3A_38 : i32
    "tpu.region"() ({
      %run_scoped3A = tpu.sem_alloc : memref<!tpu.dma_semaphore, #tpu.memory_space<semaphore_mem>>
      %dma_start3A_65 = arith.constant 0 : i32
      %dma_start3A_66 = tpu.memref_slice %arg4[%add3A_39, %dma_start3A_65] : memref<10240x256xf32, #tpu.memory_space<hbm>> -> memref<80x256xf32, #tpu.memory_space<hbm>>
      %dma_start3A_67 = arith.constant 0 : i32
      %dma_start3A_68 = tpu.memref_slice %arg4[%add3A_39, %dma_start3A_67] : memref<10240x256xf32, #tpu.memory_space<hbm>> -> memref<80x256xf32, #tpu.memory_space<hbm>>
      tpu.enqueue_dma source(%arg7 : memref<80x256xf32, #tpu.memory_space<vmem>>) target(%dma_start3A_68 : memref<80x256xf32, #tpu.memory_space<hbm>>) target_semaphore(%run_scoped3A : memref<!tpu.dma_semaphore, #tpu.memory_space<semaphore_mem>>)
      %dma_wait3A_69 = arith.constant 0 : i32
      %dma_wait3A_70 = tpu.memref_slice %arg4[%add3A_39, %dma_wait3A_69] : memref<10240x256xf32, #tpu.memory_space<hbm>> -> memref<80x256xf32, #tpu.memory_space<hbm>>
      %dma_wait3A_71 = arith.constant 0 : i32
      %dma_wait3A_72 = tpu.memref_slice %arg4[%add3A_39, %dma_wait3A_71] : memref<10240x256xf32, #tpu.memory_space<hbm>> -> memref<80x256xf32, #tpu.memory_space<hbm>>
      tpu.wait_dma2 semaphore(%run_scoped3A : memref<!tpu.dma_semaphore, #tpu.memory_space<semaphore_mem>>) src(%arg7 : memref<80x256xf32, #tpu.memory_space<vmem>>) dst(%dma_wait3A_72 : memref<80x256xf32, #tpu.memory_space<hbm>>)
      tpu.yield
    }) : () -> ()
    %dma_start3A_40 = arith.constant 3 : i32
    %dma_start3A_41 = arith.constant 0 : i32
    %dma_start3A_42 = tpu.memref_slice %arg5[%dma_start3A_40, %dma_start3A_41] : memref<4x80xi32, #tpu.memory_space<vmem>> -> memref<1x80xi32, #tpu.memory_space<vmem>>
    %dma_start3A_43 = tpu.memref_squeeze %dma_start3A_42 : memref<1x80xi32, #tpu.memory_space<vmem>> -> memref<80xi32, #tpu.memory_space<vmem>>
    %dma_start3A_44 = arith.constant 0 : i32
    %dma_start3A_45 = arith.constant 0 : i32
    %dma_start3A_46 = tpu.memref_slice %arg2[%dma_start3A_44, %dma_start3A_45] : memref<100000x256xf32, #tpu.memory_space<hbm>> -> memref<100000x256xf32, #tpu.memory_space<hbm>>
    tpu.enqueue_indirect_dma source(%dma_start3A_46 : memref<100000x256xf32, #tpu.memory_space<hbm>>) target(%arg7 : memref<80x256xf32, #tpu.memory_space<vmem>>) offsets(%dma_start3A_43 : memref<80xi32, #tpu.memory_space<vmem>>) semaphore(%arg9 : memref<!tpu.dma_semaphore, #tpu.memory_space<semaphore_mem>>)
    %dma_wait3A_47 = arith.constant 2 : i32
    %dma_wait3A_48 = arith.constant 0 : i32
    %dma_wait3A_49 = tpu.memref_slice %arg5[%dma_wait3A_47, %dma_wait3A_48] : memref<4x80xi32, #tpu.memory_space<vmem>> -> memref<1x80xi32, #tpu.memory_space<vmem>>
    %dma_wait3A_50 = tpu.memref_squeeze %dma_wait3A_49 : memref<1x80xi32, #tpu.memory_space<vmem>> -> memref<80xi32, #tpu.memory_space<vmem>>
    %dma_wait3A_51 = arith.constant 0 : i32
    %dma_wait3A_52 = arith.constant 0 : i32
    %dma_wait3A_53 = tpu.memref_slice %arg2[%dma_wait3A_51, %dma_wait3A_52] : memref<100000x256xf32, #tpu.memory_space<hbm>> -> memref<100000x256xf32, #tpu.memory_space<hbm>>
    tpu.wait_indirect_dma semaphore(%arg8 : memref<!tpu.dma_semaphore, #tpu.memory_space<semaphore_mem>>) src(%dma_wait3A_53 : memref<100000x256xf32, #tpu.memory_space<hbm>>) dst(%arg6 : memref<80x256xf32, #tpu.memory_space<vmem>>)
    %add3A_54 = arith.constant 160 : i32
    %add3A_55 = arith.addi %mul3A_2, %add3A_54 : i32
    "tpu.region"() ({
      %run_scoped3A = tpu.sem_alloc : memref<!tpu.dma_semaphore, #tpu.memory_space<semaphore_mem>>
      %dma_start3A_65 = arith.constant 0 : i32
      %dma_start3A_66 = tpu.memref_slice %arg4[%add3A_55, %dma_start3A_65] : memref<10240x256xf32, #tpu.memory_space<hbm>> -> memref<80x256xf32, #tpu.memory_space<hbm>>
      %dma_start3A_67 = arith.constant 0 : i32
      %dma_start3A_68 = tpu.memref_slice %arg4[%add3A_55, %dma_start3A_67] : memref<10240x256xf32, #tpu.memory_space<hbm>> -> memref<80x256xf32, #tpu.memory_space<hbm>>
      tpu.enqueue_dma source(%arg6 : memref<80x256xf32, #tpu.memory_space<vmem>>) target(%dma_start3A_68 : memref<80x256xf32, #tpu.memory_space<hbm>>) target_semaphore(%run_scoped3A : memref<!tpu.dma_semaphore, #tpu.memory_space<semaphore_mem>>)
      %dma_wait3A_69 = arith.constant 0 : i32
      %dma_wait3A_70 = tpu.memref_slice %arg4[%add3A_55, %dma_wait3A_69] : memref<10240x256xf32, #tpu.memory_space<hbm>> -> memref<80x256xf32, #tpu.memory_space<hbm>>
      %dma_wait3A_71 = arith.constant 0 : i32
      %dma_wait3A_72 = tpu.memref_slice %arg4[%add3A_55, %dma_wait3A_71] : memref<10240x256xf32, #tpu.memory_space<hbm>> -> memref<80x256xf32, #tpu.memory_space<hbm>>
      tpu.wait_dma2 semaphore(%run_scoped3A : memref<!tpu.dma_semaphore, #tpu.memory_space<semaphore_mem>>) src(%arg6 : memref<80x256xf32, #tpu.memory_space<vmem>>) dst(%dma_wait3A_72 : memref<80x256xf32, #tpu.memory_space<hbm>>)
      tpu.yield
    }) : () -> ()
    %dma_wait3A_56 = arith.constant 3 : i32
    %dma_wait3A_57 = arith.constant 0 : i32
    %dma_wait3A_58 = tpu.memref_slice %arg5[%dma_wait3A_56, %dma_wait3A_57] : memref<4x80xi32, #tpu.memory_space<vmem>> -> memref<1x80xi32, #tpu.memory_space<vmem>>
    %dma_wait3A_59 = tpu.memref_squeeze %dma_wait3A_58 : memref<1x80xi32, #tpu.memory_space<vmem>> -> memref<80xi32, #tpu.memory_space<vmem>>
    %dma_wait3A_60 = arith.constant 0 : i32
    %dma_wait3A_61 = arith.constant 0 : i32
    %dma_wait3A_62 = tpu.memref_slice %arg2[%dma_wait3A_60, %dma_wait3A_61] : memref<100000x256xf32, #tpu.memory_space<hbm>> -> memref<100000x256xf32, #tpu.memory_space<hbm>>
    tpu.wait_indirect_dma semaphore(%arg9 : memref<!tpu.dma_semaphore, #tpu.memory_space<semaphore_mem>>) src(%dma_wait3A_62 : memref<100000x256xf32, #tpu.memory_space<hbm>>) dst(%arg7 : memref<80x256xf32, #tpu.memory_space<vmem>>)
    %add3A_63 = arith.constant 240 : i32
    %add3A_64 = arith.addi %mul3A_2, %add3A_63 : i32
    "tpu.region"() ({
      %run_scoped3A = tpu.sem_alloc : memref<!tpu.dma_semaphore, #tpu.memory_space<semaphore_mem>>
      %dma_start3A_65 = arith.constant 0 : i32
      %dma_start3A_66 = tpu.memref_slice %arg4[%add3A_64, %dma_start3A_65] : memref<10240x256xf32, #tpu.memory_space<hbm>> -> memref<80x256xf32, #tpu.memory_space<hbm>>
      %dma_start3A_67 = arith.constant 0 : i32
      %dma_start3A_68 = tpu.memref_slice %arg4[%add3A_64, %dma_start3A_67] : memref<10240x256xf32, #tpu.memory_space<hbm>> -> memref<80x256xf32, #tpu.memory_space<hbm>>
      tpu.enqueue_dma source(%arg7 : memref<80x256xf32, #tpu.memory_space<vmem>>) target(%dma_start3A_68 : memref<80x256xf32, #tpu.memory_space<hbm>>) target_semaphore(%run_scoped3A : memref<!tpu.dma_semaphore, #tpu.memory_space<semaphore_mem>>)
      %dma_wait3A_69 = arith.constant 0 : i32
      %dma_wait3A_70 = tpu.memref_slice %arg4[%add3A_64, %dma_wait3A_69] : memref<10240x256xf32, #tpu.memory_space<hbm>> -> memref<80x256xf32, #tpu.memory_space<hbm>>
      %dma_wait3A_71 = arith.constant 0 : i32
      %dma_wait3A_72 = tpu.memref_slice %arg4[%add3A_64, %dma_wait3A_71] : memref<10240x256xf32, #tpu.memory_space<hbm>> -> memref<80x256xf32, #tpu.memory_space<hbm>>
      tpu.wait_dma2 semaphore(%run_scoped3A : memref<!tpu.dma_semaphore, #tpu.memory_space<semaphore_mem>>) src(%arg7 : memref<80x256xf32, #tpu.memory_space<vmem>>) dst(%dma_wait3A_72 : memref<80x256xf32, #tpu.memory_space<hbm>>)
      tpu.yield
    }) : () -> ()
    return
  }
}

#map = affine_map<(d0, d1) -> (0, 0)>
#map1 = affine_map<(d0, d1) -> (0, 0, 0)>
module attributes {stable_mosaic.version = 14 : i64} {
  func.func @gather_kernel(%arg0: i32, %arg1: i32, %arg2: memref<100000x256xf32, #tpu.memory_space<hbm>>, %arg3: memref<32x4x80xi32, #tpu.memory_space<hbm>>, %arg4: memref<10240x256xf32, #tpu.memory_space<hbm>>, %arg5: memref<4x80xi32, #tpu.memory_space<vmem>>, %arg6: memref<80x256xf32, #tpu.memory_space<vmem>>, %arg7: memref<80x256xf32, #tpu.memory_space<vmem>>, %arg8: memref<!tpu.dma_semaphore, #tpu.memory_space<semaphore_mem>>, %arg9: memref<!tpu.dma_semaphore, #tpu.memory_space<semaphore_mem>>) attributes {dimension_semantics = [#tpu.dimension_semantics<core_parallel>, #tpu.dimension_semantics<subcore_parallel>], iteration_bounds = array<i64: 2, 16>, scalar_prefetch = 0 : i64, scratch_operands = 5 : i64, tpu.core_type = #tpu.core_type<sc_vector_subcore>, window_params = [{transform_indices = #map}, {transform_indices = #map1}, {transform_indices = #map}]} {
    %mul3A = arith.constant 2 : i32
    %mul3A_0 = arith.muli %arg1, %mul3A : i32
    %add3A = arith.addi %mul3A_0, %arg0 : i32
    "tpu.region"() ({
      %run_scoped3A = tpu.sem_alloc : memref<!tpu.dma_semaphore, #tpu.memory_space<semaphore_mem>>
      %dma_start3A_65 = arith.constant 0 : i32
      %dma_start3A_66 = arith.constant 0 : i32
      %dma_start3A_67 = tpu.memref_slice %arg3[%add3A, %dma_start3A_65, %dma_start3A_66] : memref<32x4x80xi32, #tpu.memory_space<hbm>> -> memref<1x4x80xi32, #tpu.memory_space<hbm>>
      %dma_start3A_68 = tpu.memref_squeeze %dma_start3A_67 : memref<1x4x80xi32, #tpu.memory_space<hbm>> -> memref<4x80xi32, #tpu.memory_space<hbm>>
      %dma_start3A_69 = arith.constant 0 : i32
      %dma_start3A_70 = arith.constant 0 : i32
      %dma_start3A_71 = tpu.memref_slice %arg3[%add3A, %dma_start3A_69, %dma_start3A_70] : memref<32x4x80xi32, #tpu.memory_space<hbm>> -> memref<1x4x80xi32, #tpu.memory_space<hbm>>
      %dma_start3A_72 = tpu.memref_squeeze %dma_start3A_71 : memref<1x4x80xi32, #tpu.memory_space<hbm>> -> memref<4x80xi32, #tpu.memory_space<hbm>>
      tpu.enqueue_dma source(%dma_start3A_72 : memref<4x80xi32, #tpu.memory_space<hbm>>) target(%arg5 : memref<4x80xi32, #tpu.memory_space<vmem>>) target_semaphore(%run_scoped3A : memref<!tpu.dma_semaphore, #tpu.memory_space<semaphore_mem>>)
      %dma_wait3A_73 = arith.constant 0 : i32
      %dma_wait3A_74 = arith.constant 0 : i32
      %dma_wait3A_75 = tpu.memref_slice %arg3[%add3A, %dma_wait3A_73, %dma_wait3A_74] : memref<32x4x80xi32, #tpu.memory_space<hbm>> -> memref<1x4x80xi32, #tpu.memory_space<hbm>>
      %dma_wait3A_76 = tpu.memref_squeeze %dma_wait3A_75 : memref<1x4x80xi32, #tpu.memory_space<hbm>> -> memref<4x80xi32, #tpu.memory_space<hbm>>
      %dma_wait3A_77 = arith.constant 0 : i32
      %dma_wait3A_78 = arith.constant 0 : i32
      %dma_wait3A_79 = tpu.memref_slice %arg3[%add3A, %dma_wait3A_77, %dma_wait3A_78] : memref<32x4x80xi32, #tpu.memory_space<hbm>> -> memref<1x4x80xi32, #tpu.memory_space<hbm>>
      %dma_wait3A_80 = tpu.memref_squeeze %dma_wait3A_79 : memref<1x4x80xi32, #tpu.memory_space<hbm>> -> memref<4x80xi32, #tpu.memory_space<hbm>>
      tpu.wait_dma2 semaphore(%run_scoped3A : memref<!tpu.dma_semaphore, #tpu.memory_space<semaphore_mem>>) src(%dma_wait3A_80 : memref<4x80xi32, #tpu.memory_space<hbm>>) dst(%arg5 : memref<4x80xi32, #tpu.memory_space<vmem>>)
      tpu.yield
    }) : () -> ()
    %mul3A_1 = arith.constant 320 : i32
    %mul3A_2 = arith.muli %add3A, %mul3A_1 : i32
    %dma_start3A = arith.constant 0 : i32
    %dma_start3A_3 = arith.constant 0 : i32
    %dma_start3A_4 = tpu.memref_slice %arg5[%dma_start3A, %dma_start3A_3] : memref<4x80xi32, #tpu.memory_space<vmem>> -> memref<1x80xi32, #tpu.memory_space<vmem>>
    %dma_start3A_5 = tpu.memref_squeeze %dma_start3A_4 : memref<1x80xi32, #tpu.memory_space<vmem>> -> memref<80xi32, #tpu.memory_space<vmem>>
    %dma_start3A_6 = arith.constant 0 : i32
    %dma_start3A_7 = arith.constant 0 : i32
    %dma_start3A_8 = tpu.memref_slice %arg2[%dma_start3A_6, %dma_start3A_7] : memref<100000x256xf32, #tpu.memory_space<hbm>> -> memref<100000x256xf32, #tpu.memory_space<hbm>>
    tpu.enqueue_indirect_dma source(%dma_start3A_8 : memref<100000x256xf32, #tpu.memory_space<hbm>>) target(%arg6 : memref<80x256xf32, #tpu.memory_space<vmem>>) offsets(%dma_start3A_5 : memref<80xi32, #tpu.memory_space<vmem>>) semaphore(%arg8 : memref<!tpu.dma_semaphore, #tpu.memory_space<semaphore_mem>>)
    %dma_start3A_9 = arith.constant 1 : i32
    %dma_start3A_10 = arith.constant 0 : i32
    %dma_start3A_11 = tpu.memref_slice %arg5[%dma_start3A_9, %dma_start3A_10] : memref<4x80xi32, #tpu.memory_space<vmem>> -> memref<1x80xi32, #tpu.memory_space<vmem>>
    %dma_start3A_12 = tpu.memref_squeeze %dma_start3A_11 : memref<1x80xi32, #tpu.memory_space<vmem>> -> memref<80xi32, #tpu.memory_space<vmem>>
    %dma_start3A_13 = arith.constant 0 : i32
    %dma_start3A_14 = arith.constant 0 : i32
    %dma_start3A_15 = tpu.memref_slice %arg2[%dma_start3A_13, %dma_start3A_14] : memref<100000x256xf32, #tpu.memory_space<hbm>> -> memref<100000x256xf32, #tpu.memory_space<hbm>>
    tpu.enqueue_indirect_dma source(%dma_start3A_15 : memref<100000x256xf32, #tpu.memory_space<hbm>>) target(%arg7 : memref<80x256xf32, #tpu.memory_space<vmem>>) offsets(%dma_start3A_12 : memref<80xi32, #tpu.memory_space<vmem>>) semaphore(%arg9 : memref<!tpu.dma_semaphore, #tpu.memory_space<semaphore_mem>>)
    %dma_wait3A = arith.constant 0 : i32
    %dma_wait3A_16 = arith.constant 0 : i32
    %dma_wait3A_17 = tpu.memref_slice %arg5[%dma_wait3A, %dma_wait3A_16] : memref<4x80xi32, #tpu.memory_space<vmem>> -> memref<1x80xi32, #tpu.memory_space<vmem>>
    %dma_wait3A_18 = tpu.memref_squeeze %dma_wait3A_17 : memref<1x80xi32, #tpu.memory_space<vmem>> -> memref<80xi32, #tpu.memory_space<vmem>>
    %dma_wait3A_19 = arith.constant 0 : i32
    %dma_wait3A_20 = arith.constant 0 : i32
    %dma_wait3A_21 = tpu.memref_slice %arg2[%dma_wait3A_19, %dma_wait3A_20] : memref<100000x256xf32, #tpu.memory_space<hbm>> -> memref<100000x256xf32, #tpu.memory_space<hbm>>
    tpu.wait_indirect_dma semaphore(%arg8 : memref<!tpu.dma_semaphore, #tpu.memory_space<semaphore_mem>>) src(%dma_wait3A_21 : memref<100000x256xf32, #tpu.memory_space<hbm>>) dst(%arg6 : memref<80x256xf32, #tpu.memory_space<vmem>>)
    %add3A_22 = arith.constant 0 : i32
    %add3A_23 = arith.addi %mul3A_2, %add3A_22 : i32
    "tpu.region"() ({
      %run_scoped3A = tpu.sem_alloc : memref<!tpu.dma_semaphore, #tpu.memory_space<semaphore_mem>>
      %dma_start3A_65 = arith.constant 0 : i32
      %dma_start3A_66 = tpu.memref_slice %arg4[%add3A_23, %dma_start3A_65] : memref<10240x256xf32, #tpu.memory_space<hbm>> -> memref<80x256xf32, #tpu.memory_space<hbm>>
      %dma_start3A_67 = arith.constant 0 : i32
      %dma_start3A_68 = tpu.memref_slice %arg4[%add3A_23, %dma_start3A_67] : memref<10240x256xf32, #tpu.memory_space<hbm>> -> memref<80x256xf32, #tpu.memory_space<hbm>>
      tpu.enqueue_dma source(%arg6 : memref<80x256xf32, #tpu.memory_space<vmem>>) target(%dma_start3A_68 : memref<80x256xf32, #tpu.memory_space<hbm>>) target_semaphore(%run_scoped3A : memref<!tpu.dma_semaphore, #tpu.memory_space<semaphore_mem>>)
      %dma_wait3A_69 = arith.constant 0 : i32
      %dma_wait3A_70 = tpu.memref_slice %arg4[%add3A_23, %dma_wait3A_69] : memref<10240x256xf32, #tpu.memory_space<hbm>> -> memref<80x256xf32, #tpu.memory_space<hbm>>
      %dma_wait3A_71 = arith.constant 0 : i32
      %dma_wait3A_72 = tpu.memref_slice %arg4[%add3A_23, %dma_wait3A_71] : memref<10240x256xf32, #tpu.memory_space<hbm>> -> memref<80x256xf32, #tpu.memory_space<hbm>>
      tpu.wait_dma2 semaphore(%run_scoped3A : memref<!tpu.dma_semaphore, #tpu.memory_space<semaphore_mem>>) src(%arg6 : memref<80x256xf32, #tpu.memory_space<vmem>>) dst(%dma_wait3A_72 : memref<80x256xf32, #tpu.memory_space<hbm>>)
      tpu.yield
    }) : () -> ()
    %dma_start3A_24 = arith.constant 2 : i32
    %dma_start3A_25 = arith.constant 0 : i32
    %dma_start3A_26 = tpu.memref_slice %arg5[%dma_start3A_24, %dma_start3A_25] : memref<4x80xi32, #tpu.memory_space<vmem>> -> memref<1x80xi32, #tpu.memory_space<vmem>>
    %dma_start3A_27 = tpu.memref_squeeze %dma_start3A_26 : memref<1x80xi32, #tpu.memory_space<vmem>> -> memref<80xi32, #tpu.memory_space<vmem>>
    %dma_start3A_28 = arith.constant 0 : i32
    %dma_start3A_29 = arith.constant 0 : i32
    %dma_start3A_30 = tpu.memref_slice %arg2[%dma_start3A_28, %dma_start3A_29] : memref<100000x256xf32, #tpu.memory_space<hbm>> -> memref<100000x256xf32, #tpu.memory_space<hbm>>
    tpu.enqueue_indirect_dma source(%dma_start3A_30 : memref<100000x256xf32, #tpu.memory_space<hbm>>) target(%arg6 : memref<80x256xf32, #tpu.memory_space<vmem>>) offsets(%dma_start3A_27 : memref<80xi32, #tpu.memory_space<vmem>>) semaphore(%arg8 : memref<!tpu.dma_semaphore, #tpu.memory_space<semaphore_mem>>)
    %dma_wait3A_31 = arith.constant 1 : i32
    %dma_wait3A_32 = arith.constant 0 : i32
    %dma_wait3A_33 = tpu.memref_slice %arg5[%dma_wait3A_31, %dma_wait3A_32] : memref<4x80xi32, #tpu.memory_space<vmem>> -> memref<1x80xi32, #tpu.memory_space<vmem>>
    %dma_wait3A_34 = tpu.memref_squeeze %dma_wait3A_33 : memref<1x80xi32, #tpu.memory_space<vmem>> -> memref<80xi32, #tpu.memory_space<vmem>>
    %dma_wait3A_35 = arith.constant 0 : i32
    %dma_wait3A_36 = arith.constant 0 : i32
    %dma_wait3A_37 = tpu.memref_slice %arg2[%dma_wait3A_35, %dma_wait3A_36] : memref<100000x256xf32, #tpu.memory_space<hbm>> -> memref<100000x256xf32, #tpu.memory_space<hbm>>
    tpu.wait_indirect_dma semaphore(%arg9 : memref<!tpu.dma_semaphore, #tpu.memory_space<semaphore_mem>>) src(%dma_wait3A_37 : memref<100000x256xf32, #tpu.memory_space<hbm>>) dst(%arg7 : memref<80x256xf32, #tpu.memory_space<vmem>>)
    %add3A_38 = arith.constant 80 : i32
    %add3A_39 = arith.addi %mul3A_2, %add3A_38 : i32
    "tpu.region"() ({
      %run_scoped3A = tpu.sem_alloc : memref<!tpu.dma_semaphore, #tpu.memory_space<semaphore_mem>>
      %dma_start3A_65 = arith.constant 0 : i32
      %dma_start3A_66 = tpu.memref_slice %arg4[%add3A_39, %dma_start3A_65] : memref<10240x256xf32, #tpu.memory_space<hbm>> -> memref<80x256xf32, #tpu.memory_space<hbm>>
      %dma_start3A_67 = arith.constant 0 : i32
      %dma_start3A_68 = tpu.memref_slice %arg4[%add3A_39, %dma_start3A_67] : memref<10240x256xf32, #tpu.memory_space<hbm>> -> memref<80x256xf32, #tpu.memory_space<hbm>>
      tpu.enqueue_dma source(%arg7 : memref<80x256xf32, #tpu.memory_space<vmem>>) target(%dma_start3A_68 : memref<80x256xf32, #tpu.memory_space<hbm>>) target_semaphore(%run_scoped3A : memref<!tpu.dma_semaphore, #tpu.memory_space<semaphore_mem>>)
      %dma_wait3A_69 = arith.constant 0 : i32
      %dma_wait3A_70 = tpu.memref_slice %arg4[%add3A_39, %dma_wait3A_69] : memref<10240x256xf32, #tpu.memory_space<hbm>> -> memref<80x256xf32, #tpu.memory_space<hbm>>
      %dma_wait3A_71 = arith.constant 0 : i32
      %dma_wait3A_72 = tpu.memref_slice %arg4[%add3A_39, %dma_wait3A_71] : memref<10240x256xf32, #tpu.memory_space<hbm>> -> memref<80x256xf32, #tpu.memory_space<hbm>>
      tpu.wait_dma2 semaphore(%run_scoped3A : memref<!tpu.dma_semaphore, #tpu.memory_space<semaphore_mem>>) src(%arg7 : memref<80x256xf32, #tpu.memory_space<vmem>>) dst(%dma_wait3A_72 : memref<80x256xf32, #tpu.memory_space<hbm>>)
      tpu.yield
    }) : () -> ()
    %dma_start3A_40 = arith.constant 3 : i32
    %dma_start3A_41 = arith.constant 0 : i32
    %dma_start3A_42 = tpu.memref_slice %arg5[%dma_start3A_40, %dma_start3A_41] : memref<4x80xi32, #tpu.memory_space<vmem>> -> memref<1x80xi32, #tpu.memory_space<vmem>>
    %dma_start3A_43 = tpu.memref_squeeze %dma_start3A_42 : memref<1x80xi32, #tpu.memory_space<vmem>> -> memref<80xi32, #tpu.memory_space<vmem>>
    %dma_start3A_44 = arith.constant 0 : i32
    %dma_start3A_45 = arith.constant 0 : i32
    %dma_start3A_46 = tpu.memref_slice %arg2[%dma_start3A_44, %dma_start3A_45] : memref<100000x256xf32, #tpu.memory_space<hbm>> -> memref<100000x256xf32, #tpu.memory_space<hbm>>
    tpu.enqueue_indirect_dma source(%dma_start3A_46 : memref<100000x256xf32, #tpu.memory_space<hbm>>) target(%arg7 : memref<80x256xf32, #tpu.memory_space<vmem>>) offsets(%dma_start3A_43 : memref<80xi32, #tpu.memory_space<vmem>>) semaphore(%arg9 : memref<!tpu.dma_semaphore, #tpu.memory_space<semaphore_mem>>)
    %dma_wait3A_47 = arith.constant 2 : i32
    %dma_wait3A_48 = arith.constant 0 : i32
    %dma_wait3A_49 = tpu.memref_slice %arg5[%dma_wait3A_47, %dma_wait3A_48] : memref<4x80xi32, #tpu.memory_space<vmem>> -> memref<1x80xi32, #tpu.memory_space<vmem>>
    %dma_wait3A_50 = tpu.memref_squeeze %dma_wait3A_49 : memref<1x80xi32, #tpu.memory_space<vmem>> -> memref<80xi32, #tpu.memory_space<vmem>>
    %dma_wait3A_51 = arith.constant 0 : i32
    %dma_wait3A_52 = arith.constant 0 : i32
    %dma_wait3A_53 = tpu.memref_slice %arg2[%dma_wait3A_51, %dma_wait3A_52] : memref<100000x256xf32, #tpu.memory_space<hbm>> -> memref<100000x256xf32, #tpu.memory_space<hbm>>
    tpu.wait_indirect_dma semaphore(%arg8 : memref<!tpu.dma_semaphore, #tpu.memory_space<semaphore_mem>>) src(%dma_wait3A_53 : memref<100000x256xf32, #tpu.memory_space<hbm>>) dst(%arg6 : memref<80x256xf32, #tpu.memory_space<vmem>>)
    %add3A_54 = arith.constant 160 : i32
    %add3A_55 = arith.addi %mul3A_2, %add3A_54 : i32
    "tpu.region"() ({
      %run_scoped3A = tpu.sem_alloc : memref<!tpu.dma_semaphore, #tpu.memory_space<semaphore_mem>>
      %dma_start3A_65 = arith.constant 0 : i32
      %dma_start3A_66 = tpu.memref_slice %arg4[%add3A_55, %dma_start3A_65] : memref<10240x256xf32, #tpu.memory_space<hbm>> -> memref<80x256xf32, #tpu.memory_space<hbm>>
      %dma_start3A_67 = arith.constant 0 : i32
      %dma_start3A_68 = tpu.memref_slice %arg4[%add3A_55, %dma_start3A_67] : memref<10240x256xf32, #tpu.memory_space<hbm>> -> memref<80x256xf32, #tpu.memory_space<hbm>>
      tpu.enqueue_dma source(%arg6 : memref<80x256xf32, #tpu.memory_space<vmem>>) target(%dma_start3A_68 : memref<80x256xf32, #tpu.memory_space<hbm>>) target_semaphore(%run_scoped3A : memref<!tpu.dma_semaphore, #tpu.memory_space<semaphore_mem>>)
      %dma_wait3A_69 = arith.constant 0 : i32
      %dma_wait3A_70 = tpu.memref_slice %arg4[%add3A_55, %dma_wait3A_69] : memref<10240x256xf32, #tpu.memory_space<hbm>> -> memref<80x256xf32, #tpu.memory_space<hbm>>
      %dma_wait3A_71 = arith.constant 0 : i32
      %dma_wait3A_72 = tpu.memref_slice %arg4[%add3A_55, %dma_wait3A_71] : memref<10240x256xf32, #tpu.memory_space<hbm>> -> memref<80x256xf32, #tpu.memory_space<hbm>>
      tpu.wait_dma2 semaphore(%run_scoped3A : memref<!tpu.dma_semaphore, #tpu.memory_space<semaphore_mem>>) src(%arg6 : memref<80x256xf32, #tpu.memory_space<vmem>>) dst(%dma_wait3A_72 : memref<80x256xf32, #tpu.memory_space<hbm>>)
      tpu.yield
    }) : () -> ()
    %dma_wait3A_56 = arith.constant 3 : i32
    %dma_wait3A_57 = arith.constant 0 : i32
    %dma_wait3A_58 = tpu.memref_slice %arg5[%dma_wait3A_56, %dma_wait3A_57] : memref<4x80xi32, #tpu.memory_space<vmem>> -> memref<1x80xi32, #tpu.memory_space<vmem>>
    %dma_wait3A_59 = tpu.memref_squeeze %dma_wait3A_58 : memref<1x80xi32, #tpu.memory_space<vmem>> -> memref<80xi32, #tpu.memory_space<vmem>>
    %dma_wait3A_60 = arith.constant 0 : i32
    %dma_wait3A_61 = arith.constant 0 : i32
    %dma_wait3A_62 = tpu.memref_slice %arg2[%dma_wait3A_60, %dma_wait3A_61] : memref<100000x256xf32, #tpu.memory_space<hbm>> -> memref<100000x256xf32, #tpu.memory_space<hbm>>
    tpu.wait_indirect_dma semaphore(%arg9 : memref<!tpu.dma_semaphore, #tpu.memory_space<semaphore_mem>>) src(%dma_wait3A_62 : memref<100000x256xf32, #tpu.memory_space<hbm>>) dst(%arg7 : memref<80x256xf32, #tpu.memory_space<vmem>>)
    %add3A_63 = arith.constant 240 : i32
    %add3A_64 = arith.addi %mul3A_2, %add3A_63 : i32
    "tpu.region"() ({
      %run_scoped3A = tpu.sem_alloc : memref<!tpu.dma_semaphore, #tpu.memory_space<semaphore_mem>>
      %dma_start3A_65 = arith.constant 0 : i32
      %dma_start3A_66 = tpu.memref_slice %arg4[%add3A_64, %dma_start3A_65] : memref<10240x256xf32, #tpu.memory_space<hbm>> -> memref<80x256xf32, #tpu.memory_space<hbm>>
      %dma_start3A_67 = arith.constant 0 : i32
      %dma_start3A_68 = tpu.memref_slice %arg4[%add3A_64, %dma_start3A_67] : memref<10240x256xf32, #tpu.memory_space<hbm>> -> memref<80x256xf32, #tpu.memory_space<hbm>>
      tpu.enqueue_dma source(%arg7 : memref<80x256xf32, #tpu.memory_space<vmem>>) target(%dma_start3A_68 : memref<80x256xf32, #tpu.memory_space<hbm>>) target_semaphore(%run_scoped3A : memref<!tpu.dma_semaphore, #tpu.memory_space<semaphore_mem>>)
      %dma_wait3A_69 = arith.constant 0 : i32
      %dma_wait3A_70 = tpu.memref_slice %arg4[%add3A_64, %dma_wait3A_69] : memref<10240x256xf32, #tpu.memory_space<hbm>> -> memref<80x256xf32, #tpu.memory_space<hbm>>
      %dma_wait3A_71 = arith.constant 0 : i32
      %dma_wait3A_72 = tpu.memref_slice %arg4[%add3A_64, %dma_wait3A_71] : memref<10240x256xf32, #tpu.memory_space<hbm>> -> memref<80x256xf32, #tpu.memory_space<hbm>>
      tpu.wait_dma2 semaphore(%run_scoped3A : memref<!tpu.dma_semaphore, #tpu.memory_space<semaphore_mem>>) src(%arg7 : memref<80x256xf32, #tpu.memory_space<vmem>>) dst(%dma_wait3A_72 : memref<80x256xf32, #tpu.memory_space<hbm>>)
      tpu.yield
    }) : () -> ()
    return
  }
}

module attributes {stable_mosaic.version = 14 : i64} {
  func.func @_tc_body(%arg0: i32, %arg1: memref<1024x256xf32, #tpu.memory_space<vmem>>, %arg2: memref<1024x8xi32, #tpu.memory_space<vmem>>, %arg3: memref<512x768xbf16, #tpu.memory_space<vmem>>, %arg4: memref<256x768xbf16, #tpu.memory_space<vmem>>, %arg5: memref<1x768xf32, #tpu.memory_space<vmem>>, %arg6: memref<1x768xf32, #tpu.memory_space<vmem>>, %arg7: memref<1x1024x768xf32, #tpu.memory_space<vmem>>) attributes {dimension_semantics = [#tpu.dimension_semantics<arbitrary>], iteration_bounds = array<i64: 10>, scalar_prefetch = 0 : i64, scratch_operands = 0 : i64, tpu.core_type = #tpu.core_type<tc>, window_params = [{transform_indices = @transform_0, window_bounds = array<i64: 1024, 256>}, {transform_indices = @transform_1, window_bounds = array<i64: 1024, 8>}, {pipeline_mode = #tpu.pipeline_mode<synchronous>, transform_indices = @transform_2, window_bounds = array<i64: 512, 768>}, {pipeline_mode = #tpu.pipeline_mode<synchronous>, transform_indices = @transform_3, window_bounds = array<i64: 256, 768>}, {pipeline_mode = #tpu.pipeline_mode<synchronous>, transform_indices = @transform_4, window_bounds = array<i64: 1, 768>}, {pipeline_mode = #tpu.pipeline_mode<synchronous>, transform_indices = @transform_5, window_bounds = array<i64: 1, 768>}, {transform_indices = @transform_6, window_bounds = array<i64: 1, 1024, 768>}]} {
    %get3A = arith.constant 0 : index
    %get3A_0 = arith.constant 0 : index
    %get3A_1 = vector.load %arg1[%get3A, %get3A_0] : memref<1024x256xf32, #tpu.memory_space<vmem>>, vector<1024x256xf32>
    %convert_element_type3A = arith.truncf %get3A_1 : vector<1024x256xf32> to vector<1024x256xbf16>
    %get3A_2 = arith.constant 0 : index
    %get3A_3 = arith.constant 0 : index
    %get3A_4 = vector.load %arg4[%get3A_2, %get3A_3] : memref<256x768xbf16, #tpu.memory_space<vmem>>, vector<256x768xbf16>
    %dot_general3A = arith.constant dense<0.000000e+00> : vector<1024x768xf32>
    %dot_general3A_5 = tpu.matmul %convert_element_type3A, %get3A_4, %dot_general3A {dimension_numbers = #tpu.dot_dimension_numbers<[1], [0], [0], [1], [0, 0, 1, 1], [], []>, transpose_lhs_hint = false} : vector<1024x256xbf16>, vector<256x768xbf16>, vector<1024x768xf32> -> vector<1024x768xf32>
    %get3A_6 = arith.constant 0 : index
    %get3A_7 = arith.constant 0 : index
    %get3A_8 = vector.load %arg2[%get3A_6, %get3A_7] : memref<1024x8xi32, #tpu.memory_space<vmem>>, vector<1024x8xi32>
    %iota3A = tpu.iota {dimensions = array<i32: 1>} : vector<1024x512xi32>
    %broadcast_in_dim3A = arith.constant 0.000000e+00 : bf16
    %broadcast_in_dim3A_9 = vector.broadcast %broadcast_in_dim3A : bf16 to vector<1024x512xbf16>
    %slice3A = vector.extract_strided_slice %get3A_8 {offsets = [0, 0], sizes = [1024, 1], strides = [1, 1]} : vector<1024x8xi32> to vector<1024x1xi32>
    %eq3A = vector.broadcast %slice3A : vector<1024x1xi32> to vector<1024x512xi32>
    %eq3A_10 = arith.cmpi eq, %eq3A, %iota3A : vector<1024x512xi32>
    %convert_element_type3A_11 = arith.extui %eq3A_10 : vector<1024x512xi1> to vector<1024x512xi32>
    %convert_element_type3A_12 = arith.sitofp %convert_element_type3A_11 : vector<1024x512xi32> to vector<1024x512xf32>
    %convert_element_type3A_13 = arith.truncf %convert_element_type3A_12 : vector<1024x512xf32> to vector<1024x512xbf16>
    %add3A = arith.addf %broadcast_in_dim3A_9, %convert_element_type3A_13 : vector<1024x512xbf16>
    %slice3A_14 = vector.extract_strided_slice %get3A_8 {offsets = [0, 1], sizes = [1024, 1], strides = [1, 1]} : vector<1024x8xi32> to vector<1024x1xi32>
    %eq3A_15 = vector.broadcast %slice3A_14 : vector<1024x1xi32> to vector<1024x512xi32>
    %eq3A_16 = arith.cmpi eq, %eq3A_15, %iota3A : vector<1024x512xi32>
    %convert_element_type3A_17 = arith.extui %eq3A_16 : vector<1024x512xi1> to vector<1024x512xi32>
    %convert_element_type3A_18 = arith.sitofp %convert_element_type3A_17 : vector<1024x512xi32> to vector<1024x512xf32>
    %convert_element_type3A_19 = arith.truncf %convert_element_type3A_18 : vector<1024x512xf32> to vector<1024x512xbf16>
    %add3A_20 = arith.addf %add3A, %convert_element_type3A_19 : vector<1024x512xbf16>
    %slice3A_21 = vector.extract_strided_slice %get3A_8 {offsets = [0, 2], sizes = [1024, 1], strides = [1, 1]} : vector<1024x8xi32> to vector<1024x1xi32>
    %eq3A_22 = vector.broadcast %slice3A_21 : vector<1024x1xi32> to vector<1024x512xi32>
    %eq3A_23 = arith.cmpi eq, %eq3A_22, %iota3A : vector<1024x512xi32>
    %convert_element_type3A_24 = arith.extui %eq3A_23 : vector<1024x512xi1> to vector<1024x512xi32>
    %convert_element_type3A_25 = arith.sitofp %convert_element_type3A_24 : vector<1024x512xi32> to vector<1024x512xf32>
    %convert_element_type3A_26 = arith.truncf %convert_element_type3A_25 : vector<1024x512xf32> to vector<1024x512xbf16>
    %add3A_27 = arith.addf %add3A_20, %convert_element_type3A_26 : vector<1024x512xbf16>
    %slice3A_28 = vector.extract_strided_slice %get3A_8 {offsets = [0, 3], sizes = [1024, 1], strides = [1, 1]} : vector<1024x8xi32> to vector<1024x1xi32>
    %eq3A_29 = vector.broadcast %slice3A_28 : vector<1024x1xi32> to vector<1024x512xi32>
    %eq3A_30 = arith.cmpi eq, %eq3A_29, %iota3A : vector<1024x512xi32>
    %convert_element_type3A_31 = arith.extui %eq3A_30 : vector<1024x512xi1> to vector<1024x512xi32>
    %convert_element_type3A_32 = arith.sitofp %convert_element_type3A_31 : vector<1024x512xi32> to vector<1024x512xf32>
    %convert_element_type3A_33 = arith.truncf %convert_element_type3A_32 : vector<1024x512xf32> to vector<1024x512xbf16>
    %add3A_34 = arith.addf %add3A_27, %convert_element_type3A_33 : vector<1024x512xbf16>
    %slice3A_35 = vector.extract_strided_slice %get3A_8 {offsets = [0, 4], sizes = [1024, 1], strides = [1, 1]} : vector<1024x8xi32> to vector<1024x1xi32>
    %eq3A_36 = vector.broadcast %slice3A_35 : vector<1024x1xi32> to vector<1024x512xi32>
    %eq3A_37 = arith.cmpi eq, %eq3A_36, %iota3A : vector<1024x512xi32>
    %convert_element_type3A_38 = arith.extui %eq3A_37 : vector<1024x512xi1> to vector<1024x512xi32>
    %convert_element_type3A_39 = arith.sitofp %convert_element_type3A_38 : vector<1024x512xi32> to vector<1024x512xf32>
    %convert_element_type3A_40 = arith.truncf %convert_element_type3A_39 : vector<1024x512xf32> to vector<1024x512xbf16>
    %add3A_41 = arith.addf %add3A_34, %convert_element_type3A_40 : vector<1024x512xbf16>
    %slice3A_42 = vector.extract_strided_slice %get3A_8 {offsets = [0, 5], sizes = [1024, 1], strides = [1, 1]} : vector<1024x8xi32> to vector<1024x1xi32>
    %eq3A_43 = vector.broadcast %slice3A_42 : vector<1024x1xi32> to vector<1024x512xi32>
    %eq3A_44 = arith.cmpi eq, %eq3A_43, %iota3A : vector<1024x512xi32>
    %convert_element_type3A_45 = arith.extui %eq3A_44 : vector<1024x512xi1> to vector<1024x512xi32>
    %convert_element_type3A_46 = arith.sitofp %convert_element_type3A_45 : vector<1024x512xi32> to vector<1024x512xf32>
    %convert_element_type3A_47 = arith.truncf %convert_element_type3A_46 : vector<1024x512xf32> to vector<1024x512xbf16>
    %add3A_48 = arith.addf %add3A_41, %convert_element_type3A_47 : vector<1024x512xbf16>
    %slice3A_49 = vector.extract_strided_slice %get3A_8 {offsets = [0, 6], sizes = [1024, 1], strides = [1, 1]} : vector<1024x8xi32> to vector<1024x1xi32>
    %eq3A_50 = vector.broadcast %slice3A_49 : vector<1024x1xi32> to vector<1024x512xi32>
    %eq3A_51 = arith.cmpi eq, %eq3A_50, %iota3A : vector<1024x512xi32>
    %convert_element_type3A_52 = arith.extui %eq3A_51 : vector<1024x512xi1> to vector<1024x512xi32>
    %convert_element_type3A_53 = arith.sitofp %convert_element_type3A_52 : vector<1024x512xi32> to vector<1024x512xf32>
    %convert_element_type3A_54 = arith.truncf %convert_element_type3A_53 : vector<1024x512xf32> to vector<1024x512xbf16>
    %add3A_55 = arith.addf %add3A_48, %convert_element_type3A_54 : vector<1024x512xbf16>
    %slice3A_56 = vector.extract_strided_slice %get3A_8 {offsets = [0, 7], sizes = [1024, 1], strides = [1, 1]} : vector<1024x8xi32> to vector<1024x1xi32>
    %eq3A_57 = vector.broadcast %slice3A_56 : vector<1024x1xi32> to vector<1024x512xi32>
    %eq3A_58 = arith.cmpi eq, %eq3A_57, %iota3A : vector<1024x512xi32>
    %convert_element_type3A_59 = arith.extui %eq3A_58 : vector<1024x512xi1> to vector<1024x512xi32>
    %convert_element_type3A_60 = arith.sitofp %convert_element_type3A_59 : vector<1024x512xi32> to vector<1024x512xf32>
    %convert_element_type3A_61 = arith.truncf %convert_element_type3A_60 : vector<1024x512xf32> to vector<1024x512xbf16>
    %add3A_62 = arith.addf %add3A_55, %convert_element_type3A_61 : vector<1024x512xbf16>
    %get3A_63 = arith.constant 0 : index
    %get3A_64 = arith.constant 0 : index
    %get3A_65 = vector.load %arg3[%get3A_63, %get3A_64] : memref<512x768xbf16, #tpu.memory_space<vmem>>, vector<512x768xbf16>
    %dot_general3A_66 = arith.constant dense<0.000000e+00> : vector<1024x768xf32>
    %dot_general3A_67 = tpu.matmul %add3A_62, %get3A_65, %dot_general3A_66 {dimension_numbers = #tpu.dot_dimension_numbers<[1], [0], [0], [1], [0, 0, 1, 1], [], []>, transpose_lhs_hint = false} : vector<1024x512xbf16>, vector<512x768xbf16>, vector<1024x768xf32> -> vector<1024x768xf32>
    %ne3A = arith.constant 0 : i32
    %ne3A_68 = vector.broadcast %ne3A : i32 to vector<1024x8xi32>
    %ne3A_69 = arith.cmpi ne, %get3A_8, %ne3A_68 : vector<1024x8xi32>
    %convert_element_type3A_70 = arith.extui %ne3A_69 : vector<1024x8xi1> to vector<1024x8xi32>
    %convert_element_type3A_71 = arith.sitofp %convert_element_type3A_70 : vector<1024x8xi32> to vector<1024x8xf32>
    %reduce_sum3A = arith.constant dense<0.000000e+00> : vector<1024xf32>
    %reduce_sum3A_72 = vector.multi_reduction <add>, %convert_element_type3A_71, %reduce_sum3A [1] : vector<1024x8xf32> to vector<1024xf32>
    %broadcast_in_dim3A_73 = vector.shape_cast %reduce_sum3A_72 : vector<1024xf32> to vector<1024x1xf32>
    %max3A = arith.constant 1.000000e+00 : f32
    %max3A_74 = vector.broadcast %max3A : f32 to vector<1024x1xf32>
    %max3A_75 = arith.maximumf %broadcast_in_dim3A_73, %max3A_74 : vector<1024x1xf32>
    %div3A = arith.constant 1.000000e+00 : f32
    %div3A_76 = vector.broadcast %div3A : f32 to vector<1024x1xf32>
    %div3A_77 = arith.divf %div3A_76, %max3A_75 : vector<1024x1xf32>
    %mul3A = vector.broadcast %div3A_77 : vector<1024x1xf32> to vector<1024x768xf32>
    %mul3A_78 = arith.mulf %dot_general3A_67, %mul3A : vector<1024x768xf32>
    %add3A_79 = arith.addf %dot_general3A_5, %mul3A_78 : vector<1024x768xf32>
    %reduce_sum3A_80 = arith.constant dense<0.000000e+00> : vector<1024xf32>
    %reduce_sum3A_81 = vector.multi_reduction <add>, %add3A_79, %reduce_sum3A_80 [1] : vector<1024x768xf32> to vector<1024xf32>
    %broadcast_in_dim3A_82 = vector.shape_cast %reduce_sum3A_81 : vector<1024xf32> to vector<1024x1xf32>
    %div3A_83 = arith.constant 7.680000e+02 : f32
    %div3A_84 = vector.broadcast %div3A_83 : f32 to vector<1024x1xf32>
    %div3A_85 = arith.divf %broadcast_in_dim3A_82, %div3A_84 : vector<1024x1xf32>
    %sub3A = vector.broadcast %div3A_85 : vector<1024x1xf32> to vector<1024x768xf32>
    %sub3A_86 = arith.subf %add3A_79, %sub3A : vector<1024x768xf32>
    %mul3A_87 = arith.mulf %sub3A_86, %sub3A_86 : vector<1024x768xf32>
    %reduce_sum3A_88 = arith.constant dense<0.000000e+00> : vector<1024xf32>
    %reduce_sum3A_89 = vector.multi_reduction <add>, %mul3A_87, %reduce_sum3A_88 [1] : vector<1024x768xf32> to vector<1024xf32>
    %broadcast_in_dim3A_90 = vector.shape_cast %reduce_sum3A_89 : vector<1024xf32> to vector<1024x1xf32>
    %div3A_91 = arith.constant 7.680000e+02 : f32
    %div3A_92 = vector.broadcast %div3A_91 : f32 to vector<1024x1xf32>
    %div3A_93 = arith.divf %broadcast_in_dim3A_90, %div3A_92 : vector<1024x1xf32>
    %add3A_94 = arith.constant 9.99999996E-13 : f32
    %add3A_95 = vector.broadcast %add3A_94 : f32 to vector<1024x1xf32>
    %add3A_96 = arith.addf %div3A_93, %add3A_95 : vector<1024x1xf32>
    %rsqrt3A = math.rsqrt %add3A_96 : vector<1024x1xf32>
    %mul3A_97 = vector.broadcast %rsqrt3A : vector<1024x1xf32> to vector<1024x768xf32>
    %mul3A_98 = arith.mulf %sub3A_86, %mul3A_97 : vector<1024x768xf32>
    %get3A_99 = arith.constant 0 : index
    %get3A_100 = arith.constant 0 : index
    %get3A_101 = vector.load %arg5[%get3A_99, %get3A_100] : memref<1x768xf32, #tpu.memory_space<vmem>>, vector<1x768xf32>
    %mul3A_102 = vector.broadcast %get3A_101 : vector<1x768xf32> to vector<1024x768xf32>
    %mul3A_103 = arith.mulf %mul3A_98, %mul3A_102 : vector<1024x768xf32>
    %get3A_104 = arith.constant 0 : index
    %get3A_105 = arith.constant 0 : index
    %get3A_106 = vector.load %arg6[%get3A_104, %get3A_105] : memref<1x768xf32, #tpu.memory_space<vmem>>, vector<1x768xf32>
    %add3A_107 = vector.broadcast %get3A_106 : vector<1x768xf32> to vector<1024x768xf32>
    %add3A_108 = arith.addf %mul3A_103, %add3A_107 : vector<1024x768xf32>
    %reshape3A = vector.shape_cast %add3A_108 : vector<1024x768xf32> to vector<1x1024x768xf32>
    %swap3A = arith.constant 0 : index
    %swap3A_109 = arith.constant 0 : index
    %swap3A_110 = arith.constant 0 : index
    %swap3A_111 = vector.load %arg7[%swap3A, %swap3A_109, %swap3A_110] : memref<1x1024x768xf32, #tpu.memory_space<vmem>>, vector<1x1024x768xf32>
    tpu.vector_store %arg7[%swap3A, %swap3A_109, %swap3A_110], %reshape3A {strides = array<i32>} : memref<1x1024x768xf32, #tpu.memory_space<vmem>>, vector<1x1024x768xf32>,
    return
  }
  func.func @transform_0(%arg0: i32) -> (i32, i32) {
    %c0_i32 = arith.constant 0 : i32
    %c0_i32_0 = arith.constant 0 : i32
    return %arg0, %c0_i32 : i32, i32
  }
  func.func @transform_1(%arg0: i32) -> (i32, i32) {
    %c0_i32 = arith.constant 0 : i32
    %c0_i32_0 = arith.constant 0 : i32
    return %arg0, %c0_i32 : i32, i32
  }
  func.func @transform_2(%arg0: i32) -> (i32, i32) {
    %c0_i32 = arith.constant 0 : i32
    %c0_i32_0 = arith.constant 0 : i32
    %c0_i32_1 = arith.constant 0 : i32
    return %c0_i32, %c0_i32_0 : i32, i32
  }
  func.func @transform_3(%arg0: i32) -> (i32, i32) {
    %c0_i32 = arith.constant 0 : i32
    %c0_i32_0 = arith.constant 0 : i32
    %c0_i32_1 = arith.constant 0 : i32
    return %c0_i32, %c0_i32_0 : i32, i32
  }
  func.func @transform_4(%arg0: i32) -> (i32, i32) {
    %c0_i32 = arith.constant 0 : i32
    %c0_i32_0 = arith.constant 0 : i32
    %c0_i32_1 = arith.constant 0 : i32
    return %c0_i32, %c0_i32_0 : i32, i32
  }
  func.func @transform_5(%arg0: i32) -> (i32, i32) {
    %c0_i32 = arith.constant 0 : i32
    %c0_i32_0 = arith.constant 0 : i32
    %c0_i32_1 = arith.constant 0 : i32
    return %c0_i32, %c0_i32_0 : i32, i32
  }
  func.func @transform_6(%arg0: i32) -> (i32, i32, i32) {
    %add3A = arith.constant 0 : i32
    %add3A_0 = arith.addi %arg0, %add3A : i32
    %c0_i32 = arith.constant 0 : i32
    %c0_i32_1 = arith.constant 0 : i32
    %c0_i32_2 = arith.constant 0 : i32
    return %add3A_0, %c0_i32, %c0_i32_1 : i32, i32, i32
  }
}

module attributes {stable_mosaic.version = 14 : i64} {
  func.func @_tc_body_carry(%arg0: i32, %arg1: memref<1024x256xf32, #tpu.memory_space<vmem>>, %arg2: memref<1024x8xi32, #tpu.memory_space<vmem>>, %arg3: memref<512x768xbf16, #tpu.memory_space<vmem>>, %arg4: memref<256x768xbf16, #tpu.memory_space<vmem>>, %arg5: memref<1x768xf32, #tpu.memory_space<vmem>>, %arg6: memref<1x768xf32, #tpu.memory_space<vmem>>, %arg7: memref<20x1024x768xf32, #tpu.memory_space<hbm>>, %arg8: memref<1x1024x768xf32, #tpu.memory_space<vmem>>) attributes {dimension_semantics = [#tpu.dimension_semantics<arbitrary>], iteration_bounds = array<i64: 10>, scalar_prefetch = 0 : i64, scratch_operands = 0 : i64, tpu.core_type = #tpu.core_type<tc>, window_params = [{transform_indices = @transform_0, window_bounds = array<i64: 1024, 256>}, {transform_indices = @transform_1, window_bounds = array<i64: 1024, 8>}, {pipeline_mode = #tpu.pipeline_mode<synchronous>, transform_indices = @transform_2, window_bounds = array<i64: 512, 768>}, {pipeline_mode = #tpu.pipeline_mode<synchronous>, transform_indices = @transform_3, window_bounds = array<i64: 256, 768>}, {pipeline_mode = #tpu.pipeline_mode<synchronous>, transform_indices = @transform_4, window_bounds = array<i64: 1, 768>}, {pipeline_mode = #tpu.pipeline_mode<synchronous>, transform_indices = @transform_5, window_bounds = array<i64: 1, 768>}, {}, {transform_indices = @transform_7, window_bounds = array<i64: 1, 1024, 768>}]} {
    %get3A = arith.constant 0 : index
    %get3A_0 = arith.constant 0 : index
    %get3A_1 = vector.load %arg1[%get3A, %get3A_0] : memref<1024x256xf32, #tpu.memory_space<vmem>>, vector<1024x256xf32>
    %convert_element_type3A = arith.truncf %get3A_1 : vector<1024x256xf32> to vector<1024x256xbf16>
    %get3A_2 = arith.constant 0 : index
    %get3A_3 = arith.constant 0 : index
    %get3A_4 = vector.load %arg4[%get3A_2, %get3A_3] : memref<256x768xbf16, #tpu.memory_space<vmem>>, vector<256x768xbf16>
    %dot_general3A = arith.constant dense<0.000000e+00> : vector<1024x768xf32>
    %dot_general3A_5 = tpu.matmul %convert_element_type3A, %get3A_4, %dot_general3A {dimension_numbers = #tpu.dot_dimension_numbers<[1], [0], [0], [1], [0, 0, 1, 1], [], []>, transpose_lhs_hint = false} : vector<1024x256xbf16>, vector<256x768xbf16>, vector<1024x768xf32> -> vector<1024x768xf32>
    %get3A_6 = arith.constant 0 : index
    %get3A_7 = arith.constant 0 : index
    %get3A_8 = vector.load %arg2[%get3A_6, %get3A_7] : memref<1024x8xi32, #tpu.memory_space<vmem>>, vector<1024x8xi32>
    %iota3A = tpu.iota {dimensions = array<i32: 1>} : vector<1024x512xi32>
    %broadcast_in_dim3A = arith.constant 0.000000e+00 : bf16
    %broadcast_in_dim3A_9 = vector.broadcast %broadcast_in_dim3A : bf16 to vector<1024x512xbf16>
    %slice3A = vector.extract_strided_slice %get3A_8 {offsets = [0, 0], sizes = [1024, 1], strides = [1, 1]} : vector<1024x8xi32> to vector<1024x1xi32>
    %eq3A = vector.broadcast %slice3A : vector<1024x1xi32> to vector<1024x512xi32>
    %eq3A_10 = arith.cmpi eq, %eq3A, %iota3A : vector<1024x512xi32>
    %convert_element_type3A_11 = arith.extui %eq3A_10 : vector<1024x512xi1> to vector<1024x512xi32>
    %convert_element_type3A_12 = arith.sitofp %convert_element_type3A_11 : vector<1024x512xi32> to vector<1024x512xf32>
    %convert_element_type3A_13 = arith.truncf %convert_element_type3A_12 : vector<1024x512xf32> to vector<1024x512xbf16>
    %add3A = arith.addf %broadcast_in_dim3A_9, %convert_element_type3A_13 : vector<1024x512xbf16>
    %slice3A_14 = vector.extract_strided_slice %get3A_8 {offsets = [0, 1], sizes = [1024, 1], strides = [1, 1]} : vector<1024x8xi32> to vector<1024x1xi32>
    %eq3A_15 = vector.broadcast %slice3A_14 : vector<1024x1xi32> to vector<1024x512xi32>
    %eq3A_16 = arith.cmpi eq, %eq3A_15, %iota3A : vector<1024x512xi32>
    %convert_element_type3A_17 = arith.extui %eq3A_16 : vector<1024x512xi1> to vector<1024x512xi32>
    %convert_element_type3A_18 = arith.sitofp %convert_element_type3A_17 : vector<1024x512xi32> to vector<1024x512xf32>
    %convert_element_type3A_19 = arith.truncf %convert_element_type3A_18 : vector<1024x512xf32> to vector<1024x512xbf16>
    %add3A_20 = arith.addf %add3A, %convert_element_type3A_19 : vector<1024x512xbf16>
    %slice3A_21 = vector.extract_strided_slice %get3A_8 {offsets = [0, 2], sizes = [1024, 1], strides = [1, 1]} : vector<1024x8xi32> to vector<1024x1xi32>
    %eq3A_22 = vector.broadcast %slice3A_21 : vector<1024x1xi32> to vector<1024x512xi32>
    %eq3A_23 = arith.cmpi eq, %eq3A_22, %iota3A : vector<1024x512xi32>
    %convert_element_type3A_24 = arith.extui %eq3A_23 : vector<1024x512xi1> to vector<1024x512xi32>
    %convert_element_type3A_25 = arith.sitofp %convert_element_type3A_24 : vector<1024x512xi32> to vector<1024x512xf32>
    %convert_element_type3A_26 = arith.truncf %convert_element_type3A_25 : vector<1024x512xf32> to vector<1024x512xbf16>
    %add3A_27 = arith.addf %add3A_20, %convert_element_type3A_26 : vector<1024x512xbf16>
    %slice3A_28 = vector.extract_strided_slice %get3A_8 {offsets = [0, 3], sizes = [1024, 1], strides = [1, 1]} : vector<1024x8xi32> to vector<1024x1xi32>
    %eq3A_29 = vector.broadcast %slice3A_28 : vector<1024x1xi32> to vector<1024x512xi32>
    %eq3A_30 = arith.cmpi eq, %eq3A_29, %iota3A : vector<1024x512xi32>
    %convert_element_type3A_31 = arith.extui %eq3A_30 : vector<1024x512xi1> to vector<1024x512xi32>
    %convert_element_type3A_32 = arith.sitofp %convert_element_type3A_31 : vector<1024x512xi32> to vector<1024x512xf32>
    %convert_element_type3A_33 = arith.truncf %convert_element_type3A_32 : vector<1024x512xf32> to vector<1024x512xbf16>
    %add3A_34 = arith.addf %add3A_27, %convert_element_type3A_33 : vector<1024x512xbf16>
    %slice3A_35 = vector.extract_strided_slice %get3A_8 {offsets = [0, 4], sizes = [1024, 1], strides = [1, 1]} : vector<1024x8xi32> to vector<1024x1xi32>
    %eq3A_36 = vector.broadcast %slice3A_35 : vector<1024x1xi32> to vector<1024x512xi32>
    %eq3A_37 = arith.cmpi eq, %eq3A_36, %iota3A : vector<1024x512xi32>
    %convert_element_type3A_38 = arith.extui %eq3A_37 : vector<1024x512xi1> to vector<1024x512xi32>
    %convert_element_type3A_39 = arith.sitofp %convert_element_type3A_38 : vector<1024x512xi32> to vector<1024x512xf32>
    %convert_element_type3A_40 = arith.truncf %convert_element_type3A_39 : vector<1024x512xf32> to vector<1024x512xbf16>
    %add3A_41 = arith.addf %add3A_34, %convert_element_type3A_40 : vector<1024x512xbf16>
    %slice3A_42 = vector.extract_strided_slice %get3A_8 {offsets = [0, 5], sizes = [1024, 1], strides = [1, 1]} : vector<1024x8xi32> to vector<1024x1xi32>
    %eq3A_43 = vector.broadcast %slice3A_42 : vector<1024x1xi32> to vector<1024x512xi32>
    %eq3A_44 = arith.cmpi eq, %eq3A_43, %iota3A : vector<1024x512xi32>
    %convert_element_type3A_45 = arith.extui %eq3A_44 : vector<1024x512xi1> to vector<1024x512xi32>
    %convert_element_type3A_46 = arith.sitofp %convert_element_type3A_45 : vector<1024x512xi32> to vector<1024x512xf32>
    %convert_element_type3A_47 = arith.truncf %convert_element_type3A_46 : vector<1024x512xf32> to vector<1024x512xbf16>
    %add3A_48 = arith.addf %add3A_41, %convert_element_type3A_47 : vector<1024x512xbf16>
    %slice3A_49 = vector.extract_strided_slice %get3A_8 {offsets = [0, 6], sizes = [1024, 1], strides = [1, 1]} : vector<1024x8xi32> to vector<1024x1xi32>
    %eq3A_50 = vector.broadcast %slice3A_49 : vector<1024x1xi32> to vector<1024x512xi32>
    %eq3A_51 = arith.cmpi eq, %eq3A_50, %iota3A : vector<1024x512xi32>
    %convert_element_type3A_52 = arith.extui %eq3A_51 : vector<1024x512xi1> to vector<1024x512xi32>
    %convert_element_type3A_53 = arith.sitofp %convert_element_type3A_52 : vector<1024x512xi32> to vector<1024x512xf32>
    %convert_element_type3A_54 = arith.truncf %convert_element_type3A_53 : vector<1024x512xf32> to vector<1024x512xbf16>
    %add3A_55 = arith.addf %add3A_48, %convert_element_type3A_54 : vector<1024x512xbf16>
    %slice3A_56 = vector.extract_strided_slice %get3A_8 {offsets = [0, 7], sizes = [1024, 1], strides = [1, 1]} : vector<1024x8xi32> to vector<1024x1xi32>
    %eq3A_57 = vector.broadcast %slice3A_56 : vector<1024x1xi32> to vector<1024x512xi32>
    %eq3A_58 = arith.cmpi eq, %eq3A_57, %iota3A : vector<1024x512xi32>
    %convert_element_type3A_59 = arith.extui %eq3A_58 : vector<1024x512xi1> to vector<1024x512xi32>
    %convert_element_type3A_60 = arith.sitofp %convert_element_type3A_59 : vector<1024x512xi32> to vector<1024x512xf32>
    %convert_element_type3A_61 = arith.truncf %convert_element_type3A_60 : vector<1024x512xf32> to vector<1024x512xbf16>
    %add3A_62 = arith.addf %add3A_55, %convert_element_type3A_61 : vector<1024x512xbf16>
    %get3A_63 = arith.constant 0 : index
    %get3A_64 = arith.constant 0 : index
    %get3A_65 = vector.load %arg3[%get3A_63, %get3A_64] : memref<512x768xbf16, #tpu.memory_space<vmem>>, vector<512x768xbf16>
    %dot_general3A_66 = arith.constant dense<0.000000e+00> : vector<1024x768xf32>
    %dot_general3A_67 = tpu.matmul %add3A_62, %get3A_65, %dot_general3A_66 {dimension_numbers = #tpu.dot_dimension_numbers<[1], [0], [0], [1], [0, 0, 1, 1], [], []>, transpose_lhs_hint = false} : vector<1024x512xbf16>, vector<512x768xbf16>, vector<1024x768xf32> -> vector<1024x768xf32>
    %ne3A = arith.constant 0 : i32
    %ne3A_68 = vector.broadcast %ne3A : i32 to vector<1024x8xi32>
    %ne3A_69 = arith.cmpi ne, %get3A_8, %ne3A_68 : vector<1024x8xi32>
    %convert_element_type3A_70 = arith.extui %ne3A_69 : vector<1024x8xi1> to vector<1024x8xi32>
    %convert_element_type3A_71 = arith.sitofp %convert_element_type3A_70 : vector<1024x8xi32> to vector<1024x8xf32>
    %reduce_sum3A = arith.constant dense<0.000000e+00> : vector<1024xf32>
    %reduce_sum3A_72 = vector.multi_reduction <add>, %convert_element_type3A_71, %reduce_sum3A [1] : vector<1024x8xf32> to vector<1024xf32>
    %broadcast_in_dim3A_73 = vector.shape_cast %reduce_sum3A_72 : vector<1024xf32> to vector<1024x1xf32>
    %max3A = arith.constant 1.000000e+00 : f32
    %max3A_74 = vector.broadcast %max3A : f32 to vector<1024x1xf32>
    %max3A_75 = arith.maximumf %broadcast_in_dim3A_73, %max3A_74 : vector<1024x1xf32>
    %div3A = arith.constant 1.000000e+00 : f32
    %div3A_76 = vector.broadcast %div3A : f32 to vector<1024x1xf32>
    %div3A_77 = arith.divf %div3A_76, %max3A_75 : vector<1024x1xf32>
    %mul3A = vector.broadcast %div3A_77 : vector<1024x1xf32> to vector<1024x768xf32>
    %mul3A_78 = arith.mulf %dot_general3A_67, %mul3A : vector<1024x768xf32>
    %add3A_79 = arith.addf %dot_general3A_5, %mul3A_78 : vector<1024x768xf32>
    %reduce_sum3A_80 = arith.constant dense<0.000000e+00> : vector<1024xf32>
    %reduce_sum3A_81 = vector.multi_reduction <add>, %add3A_79, %reduce_sum3A_80 [1] : vector<1024x768xf32> to vector<1024xf32>
    %broadcast_in_dim3A_82 = vector.shape_cast %reduce_sum3A_81 : vector<1024xf32> to vector<1024x1xf32>
    %div3A_83 = arith.constant 7.680000e+02 : f32
    %div3A_84 = vector.broadcast %div3A_83 : f32 to vector<1024x1xf32>
    %div3A_85 = arith.divf %broadcast_in_dim3A_82, %div3A_84 : vector<1024x1xf32>
    %sub3A = vector.broadcast %div3A_85 : vector<1024x1xf32> to vector<1024x768xf32>
    %sub3A_86 = arith.subf %add3A_79, %sub3A : vector<1024x768xf32>
    %mul3A_87 = arith.mulf %sub3A_86, %sub3A_86 : vector<1024x768xf32>
    %reduce_sum3A_88 = arith.constant dense<0.000000e+00> : vector<1024xf32>
    %reduce_sum3A_89 = vector.multi_reduction <add>, %mul3A_87, %reduce_sum3A_88 [1] : vector<1024x768xf32> to vector<1024xf32>
    %broadcast_in_dim3A_90 = vector.shape_cast %reduce_sum3A_89 : vector<1024xf32> to vector<1024x1xf32>
    %div3A_91 = arith.constant 7.680000e+02 : f32
    %div3A_92 = vector.broadcast %div3A_91 : f32 to vector<1024x1xf32>
    %div3A_93 = arith.divf %broadcast_in_dim3A_90, %div3A_92 : vector<1024x1xf32>
    %add3A_94 = arith.constant 9.99999996E-13 : f32
    %add3A_95 = vector.broadcast %add3A_94 : f32 to vector<1024x1xf32>
    %add3A_96 = arith.addf %div3A_93, %add3A_95 : vector<1024x1xf32>
    %rsqrt3A = math.rsqrt %add3A_96 : vector<1024x1xf32>
    %mul3A_97 = vector.broadcast %rsqrt3A : vector<1024x1xf32> to vector<1024x768xf32>
    %mul3A_98 = arith.mulf %sub3A_86, %mul3A_97 : vector<1024x768xf32>
    %get3A_99 = arith.constant 0 : index
    %get3A_100 = arith.constant 0 : index
    %get3A_101 = vector.load %arg5[%get3A_99, %get3A_100] : memref<1x768xf32, #tpu.memory_space<vmem>>, vector<1x768xf32>
    %mul3A_102 = vector.broadcast %get3A_101 : vector<1x768xf32> to vector<1024x768xf32>
    %mul3A_103 = arith.mulf %mul3A_98, %mul3A_102 : vector<1024x768xf32>
    %get3A_104 = arith.constant 0 : index
    %get3A_105 = arith.constant 0 : index
    %get3A_106 = vector.load %arg6[%get3A_104, %get3A_105] : memref<1x768xf32, #tpu.memory_space<vmem>>, vector<1x768xf32>
    %add3A_107 = vector.broadcast %get3A_106 : vector<1x768xf32> to vector<1024x768xf32>
    %add3A_108 = arith.addf %mul3A_103, %add3A_107 : vector<1024x768xf32>
    %reshape3A = vector.shape_cast %add3A_108 : vector<1024x768xf32> to vector<1x1024x768xf32>
    %swap3A = arith.constant 0 : index
    %swap3A_109 = arith.constant 0 : index
    %swap3A_110 = arith.constant 0 : index
    %swap3A_111 = vector.load %arg8[%swap3A, %swap3A_109, %swap3A_110] : memref<1x1024x768xf32, #tpu.memory_space<vmem>>, vector<1x1024x768xf32>
    tpu.vector_store %arg8[%swap3A, %swap3A_109, %swap3A_110], %reshape3A {strides = array<i32>} : memref<1x1024x768xf32, #tpu.memory_space<vmem>>, vector<1x1024x768xf32>,
    return
  }
  func.func @transform_0(%arg0: i32) -> (i32, i32) {
    %c0_i32 = arith.constant 0 : i32
    %c0_i32_0 = arith.constant 0 : i32
    return %arg0, %c0_i32 : i32, i32
  }
  func.func @transform_1(%arg0: i32) -> (i32, i32) {
    %c0_i32 = arith.constant 0 : i32
    %c0_i32_0 = arith.constant 0 : i32
    return %arg0, %c0_i32 : i32, i32
  }
  func.func @transform_2(%arg0: i32) -> (i32, i32) {
    %c0_i32 = arith.constant 0 : i32
    %c0_i32_0 = arith.constant 0 : i32
    %c0_i32_1 = arith.constant 0 : i32
    return %c0_i32, %c0_i32_0 : i32, i32
  }
  func.func @transform_3(%arg0: i32) -> (i32, i32) {
    %c0_i32 = arith.constant 0 : i32
    %c0_i32_0 = arith.constant 0 : i32
    %c0_i32_1 = arith.constant 0 : i32
    return %c0_i32, %c0_i32_0 : i32, i32
  }
  func.func @transform_4(%arg0: i32) -> (i32, i32) {
    %c0_i32 = arith.constant 0 : i32
    %c0_i32_0 = arith.constant 0 : i32
    %c0_i32_1 = arith.constant 0 : i32
    return %c0_i32, %c0_i32_0 : i32, i32
  }
  func.func @transform_5(%arg0: i32) -> (i32, i32) {
    %c0_i32 = arith.constant 0 : i32
    %c0_i32_0 = arith.constant 0 : i32
    %c0_i32_1 = arith.constant 0 : i32
    return %c0_i32, %c0_i32_0 : i32, i32
  }
  func.func @transform_7(%arg0: i32) -> (i32, i32, i32) {
    %add3A = arith.constant 10 : i32
    %add3A_0 = arith.addi %arg0, %add3A : i32
    %c0_i32 = arith.constant 0 : i32
    %c0_i32_1 = arith.constant 0 : i32
    %c0_i32_2 = arith.constant 0 : i32
    return %add3A_0, %c0_i32, %c0_i32_1 : i32, i32, i32
  }
}

</mosaic_0001>

<sc_bundles>
// kernel: kernel.6.cloned.1.call-start
scs
__scs_entry_jumppad:
0x0: {  	(pc) =	sbr.rel $0x88, $3  }
0x1: {  	(tag) =	ssettag $0x0;
	lr =	simm.s32 $0x1  }
0x2: {  	[smem:$0x3F9A] =	sst lr;
	_ =	strace $0xD0000000  }
0x3: {  	_ = 	snop  }
0x4: {  	_ = 	snop  }
0x5: {  	_ = 	snop  }
0x6: {  	_ = 	snop  }
0x7: {  	_ = 	snop  }
__scs_overlays_trampoline_lowered:
0x8: {  	[smem:$0x3FA9] =	sst s0  }
0x9: {  	[smem:$0x3FAA] =	sst s1  }
0xa: {  	[smem:$0x3FAB] =	sst s2  }
0xb: {  	[smem:$0x3FAC] =	sst s3  }
0xc: {  	[smem:$0x3FAD] =	sst s4  }
0xd: {  	[smem:$0x3FAE] =	sst s5  }
0xe: {  	[smem:$0x3FAF] =	sst s6  }
0xf: {  	[smem:$0x3FB0] =	sst s7  }
0x10: {  	[smem:$0x3FB1] =	sst s8  }
0x11: {  	[smem:$0x3FB2] =	sst s9;
	s0 =	simm.s32 @!p0 $0x0  }
0x12: {  	s1 =	sld [smem:$0x3F98];
	s0 =	simm.s32 @p0 $0x1  }
0x13: {  	[smem:$0x3FB3] =	sst s0;
	s0 =	simm.s32 @!p1 $0x0  }
0x14: {  	s2 =	sld [smem:$0x3F97];
	s0 =	simm.s32 @p1 $0x1  }
0x15: {  	[smem:$0x3FB4] =	sst s0;
	s0 =	simm.s32 @!p2 $0x0  }
0x16: {  	s3 =	sld [smem:$0x3FDB];
	s0 =	simm.s32 @p2 $0x1  }
0x17: {  	s4 =	simm.s32 $0x1BF5;
	[smem:$0x3FB6] =	sst s0  }
0x18: {  	s0 =	sld [smem:$0x3F99];
	_ =	swait.ge [sflag:s4], $0x0  }
0x19: {  	s7 =	sld [smem:$0x3F9A]  }
0x1a: {  	s8 =	sadd.s32 $0xFFFFE003, lr  }
0x1b: {  	s9 =	sadd.s32 $0xFFFFFEF7, lr;
	s5 =	simm.s32 $0xFFFFFFFF;
	p2 =	slt.u32 s8, $0xFFFFF086  }
0x1c: {  	p1 =	slt.u32 s9, $0xF7A;
	s5 =	simm.s32 @!p2 $0x0  }
0x1d: {  	s5 =	simm.s32 @p1 $0x1;
	p0 =	seq.s32 s7, s2  }
0x1e: {  	s7 =	smul.u32 @!p0 $0xF7A, s2;
	p2 =	seq.s32 @!p0 s5, $0x0  }
0x1f: {  	s9 =	smul.u32 $0xF7A, s1;
	s8 =	simm.s32 @!p0 $0x1BF5;
	p2 =	por !p2, p0  }
0x20: {  	[sflag:s8] =	ssyncset.s32 @!p0 $0xFFFFF086;
	s6 =	sadd.s32 @!p0 s3, s7;
	s7 =	simm.s32 @!p0 $0x108  }
0x21: {  	s3 =	sadd.s32 s3, s9;
	s6 =	sadd.s32 @!p0 $0x88, s6;
	s7 =	simm.s32 @p2 $0x1082  }
0x22: {  	[simem:s7], [sflag:s8] =	dma.local @!p0 [hbm:s6], $0xF7A  }
0x23: {  	s9 =	sor.u32 $0xD0000000, s2;
	s6 =	simm.s32 $0x108;
	_ =	swait.ge @!p0 [sflag:s8], $0x0  }
0x24: {  	s3 =	sadd.s32 $0x88, s3;
	s6 =	simm.s32 @!p1 $0x1082;
	[sflag:s4] =	ssyncset.s32 $0xFFFFF086  }
0x25: {  	[simem:s6], [sflag:s4] =	dma.local [hbm:s3], $0xF7A  }
0x26: {  	[smem:$0x3F9A] =	sst s1;
	(tag) =	ssettag s2;
	_ =	strace s9  }
0x27: {  	s1 =	sld [smem:$0x3FAA]  }
0x28: {  	s2 =	sld [smem:$0x3FAB]  }
0x29: {  	s4 =	sld [smem:$0x3FAD]  }
0x2a: {  	p0 =	seq.s32 s5, $0x0;
	s5 =	sld [smem:$0x3FAE]  }
0x2b: {  	s6 =	sld [smem:$0x3FAF]  }
0x2c: {  	s7 =	sld [smem:$0x3FB0]  }
0x2d: {  	s3 =	simm.s32 $0x108;
	s8 =	sld [smem:$0x3FB1]  }
0x2e: {  	s3 =	simm.s32 @!p0 $0x1082;
	s9 =	sld [smem:$0x3FB2]  }
0x2f: {  	lr =	sadd.s32 s0, s3;
	s0 =	sld [smem:$0x3FA9]  }
0x30: {  	s3 =	sld [smem:$0x3FAC]  }
0x31: {  	[smem:$0x3FB5] =	sst s10  }
0x32: {  	s10 =	sld [smem:$0x3FB3];
	_ =	sdelay $0x3  }
0x33: {  	p0 =	seq.s32 s10, $0x1;
	s10 =	sld [smem:$0x3FB5];
	_ =	sdelay $0x3  }
0x34: {  	[smem:$0x3FB5] =	sst s10  }
0x35: {  	s10 =	sld [smem:$0x3FB4];
	_ =	sdelay $0x3  }
0x36: {  	p1 =	seq.s32 s10, $0x1;
	s10 =	sld [smem:$0x3FB5];
	_ =	sdelay $0x3  }
0x37: {  	[smem:$0x3FB5] =	sst s10  }
0x38: {  	s10 =	sld [smem:$0x3FB6]  }
0x39: {  	_ = 	snop;
	(pc) =	sbr.ind lr, $3  }
0x3a: {  	_ = 	snop  }
0x3b: {  	_ = 	snop  }
0x3c: {  	p2 =	seq.s32 s10, $0x1;
	s10 =	sld [smem:$0x3FB5]  }
0x3d: {  	_ =	shalt  }
0x3e: {  	_ =	shalt  }
0x3f: {  	_ =	shalt  }
0x40: {  	_ =	shalt  }
0x41: {  	_ =	shalt  }
0x42: {  	_ =	shalt  }
0x43: {  	_ =	shalt  }
0x44: {  	_ =	shalt  }
0x45: {  	_ =	shalt  }
0x46: {  	_ =	shalt  }
0x47: {  	_ =	shalt  }
0x48: {  	_ =	shalt  }
0x49: {  	_ =	shalt  }
0x4a: {  	_ =	shalt  }
0x4b: {  	_ =	shalt  }
0x4c: {  	_ =	shalt  }
0x4d: {  	_ =	shalt  }
0x4e: {  	_ =	shalt  }
0x4f: {  	_ =	shalt  }
0x50: {  	_ =	shalt  }
0x51: {  	_ =	shalt  }
0x52: {  	_ =	shalt  }
0x53: {  	_ =	shalt  }
0x54: {  	_ =	shalt  }
0x55: {  	_ =	shalt  }
0x56: {  	_ =	shalt  }
0x57: {  	_ =	shalt  }
0x58: {  	_ =	shalt  }
0x59: {  	_ =	shalt  }
0x5a: {  	_ =	shalt  }
0x5b: {  	_ =	shalt  }
0x5c: {  	_ =	shalt  }
0x5d: {  	_ =	shalt  }
0x5e: {  	_ =	shalt  }
0x5f: {  	_ =	shalt  }
0x60: {  	_ =	shalt  }
0x61: {  	_ =	shalt  }
0x62: {  	_ =	shalt  }
0x63: {  	_ =	shalt  }
0x64: {  	_ =	shalt  }
0x65: {  	_ =	shalt  }
0x66: {  	_ =	shalt  }
0x67: {  	_ =	shalt  }
0x68: {  	_ =	shalt  }
0x69: {  	_ =	shalt  }
0x6a: {  	_ =	shalt  }
0x6b: {  	_ =	shalt  }
0x6c: {  	_ =	shalt  }
0x6d: {  	_ =	shalt  }
0x6e: {  	_ =	shalt  }
0x6f: {  	_ =	shalt  }
0x70: {  	_ =	shalt  }
0x71: {  	_ =	shalt  }
0x72: {  	_ =	shalt  }
0x73: {  	_ =	shalt  }
0x74: {  	_ =	shalt  }
0x75: {  	_ =	shalt  }
0x76: {  	_ =	shalt  }
0x77: {  	_ =	shalt  }
0x78: {  	_ =	shalt  }
0x79: {  	_ =	shalt  }
0x7a: {  	_ =	shalt  }
0x7b: {  	_ =	shalt  }
0x7c: {  	_ =	shalt  }
0x7d: {  	_ =	shalt  }
0x7e: {  	_ =	shalt  }
0x7f: {  	_ =	shalt  }
0x80: {  	_ =	shalt  }
0x81: {  	_ =	shalt  }
0x82: {  	_ =	shalt  }
0x83: {  	_ =	shalt  }
0x84: {  	_ =	shalt  }
0x85: {  	_ =	shalt  }
0x86: {  	_ =	shalt  }
0x87: {  	_ =	shalt  }
.Lfunc_end0:
.L_simem_size_0:
called_computation_lowered:
.L_overlay_start_0:
0x88: {  	s2 =	sld [smem:$0x3FD9]  }
0x89: {  	s3 =	sld [smem:$0x3FFE];
	_ =	sdelay $0x1  }
0x8a: {  	s1 =	srdreg.scid  }
0x8b: {  	s0 =	sand.u32 $0x1, s1  }
0x8c: {  	s17 =	sshll.u32 s0, $0xA;
	s2 =	sadd.s32 s3, s2  }
0x8d: {  	s2 =	sadd.s32 s2, s17  }
0x8e: {  	[smem:$0x3FC1] =	sst s2  }
0x8f: {  	_ = 	snop  }
0x90: {  	s2 =	sld [smem:$0x3FC7]  }
0x91: {  	s18 =	sld [smem:$0x3FD0];
	(tm) =	ssettm $0x1  }
0x92: {  	s4 =	sld [smem:$0x3FFB];
	_ =	sdelay $0x3  }
0x93: {  	_ =	strace s4  }
0x94: {  	s4 =	sld [smem:$0x3FFC];
	_ =	sdelay $0x3  }
0x95: {  	_ =	strace s4  }
0x96: {  	s4 =	sld [smem:$0x3FFD];
	_ =	sdelay $0x3  }
0x97: {  	_ =	strace s4  }
0x98: {  	_ =	strace $0x8FFFFFFF  }
0x99: {  	s19 =	sld [smem:$0x3FDB];
	_ =	sdelay $0x1  }
0x9a: {  	s5 =	simm.s32 $_scs_section_size  }
0x9b: {  	s6 =	simm.s32 $_size__tile_overlayer_lowered;
	s7 =	simm.s32 $_tile_overlayer_lowered  }
0x9c: {  	s22 =	simm.s32 $0x1BFF;
	s21 =	sshll.u32 s7, $0x1;
	s4 =	sadd.s32 s5, s19  }
0x9d: {  	s8 =	simm.s32 $0x0;
	s20 =	sshll.u32 s6, $0x1;
	s6 =	sadd.s32 s21, s4  }
0x9e: {  	[timem:s8], [sflag:s22] =	dma.local [hbm:s6], s20  }
0x9f: {  	_ =	swait.ge [sflag:s22], s20  }
0xa0: {  	s5 =	ssub.s32 $0x0, s20;
	[sflag:s22] =	ssyncset.done $0x0  }
0xa1: {  	[sflag:s22] =	ssyncadd.s32 s5;
	_ =	sdelay $0x1  }
0xa2: {  	s23 =	simm.s32 $0x1B8B  }
0xa3: {  	_ =	swait.ge [sflag:s23], $0x1  }
0xa4: {  	[sflag:s23] =	ssyncset.done $0x0  }
0xa5: {  	s25 =	simm.s32 $0x1B8E;
	s24 =	sld [smem:$0x3FFE];
	[sflag:s23] =	ssyncadd.s32 $0xFFFFFFFF  }
0xa6: {  	s26 =	simm.s32 $execute0_lowered;
	[smem:$0x3FD2] =	sst s25  }
0xa7: {  	s6 =	sshll.u32 s26, $0x1;
	_ =	strace $0x80000046;
	[dreg:$0x1] =	wrdreg $0xFFFFFFFF  }
0xa8: {  	s28 =	simm.s32 $_size_execute0_lowered;
	s4 =	sadd.s32 s4, s6;
	[dreg:$0x0] =	wrdreg $0x0  }
0xa9: {  	s6 =	sshll.u32 s28, $0x1;
	[dreg:$0x2] =	wrdreg s4  }
0xaa: {  	[dreg:$0x3] =	wrdreg s6  }
0xab: {  	[dreg:$0x4] =	wrdreg $0xC0  }
0xac: {  	_ =	task [dreg:s8], $0x5FFFF  }
0xad: {  	[dreg:$0x1] =	wrdreg $0xFFFFFFFF  }
0xae: {  	[dreg:$0x0] =	wrdreg $0x60  }
0xaf: {  	[dreg:$0x2] =	wrdreg s2  }
0xb0: {  	[dreg:$0x3] =	wrdreg s24  }
0xb1: {  	[dreg:$0x4] =	wrdreg s18  }
0xb2: {  	[dreg:$0x5] =	wrdreg $0x9  }
0xb3: {  	_ =	task.clear_ibuf [dreg:s8], $0x6FFFF;
	_ =	strace $0x90000046  }
0xb4: {  	s29 =	simm.s32 $0x9;
	_ =	strace $0x80000048  }
0xb5: {  	_ =	swait.ge [sflag:s29], $0x1  }
0xb6: {  	[sflag:s29] =	ssyncadd.s32 $0xFFFFFFFF  }
0xb7: {  	_ =	strace $0x90000048  }
0xb8: {  	_ =	sfence  }
0xb9: {  	s30 =	sld [smem:$0x0];
	_ =	sdelay $0x2  }
0xba: {  	s31 =	sshll.u32 s1, $0xD;
	s1 =	sshrl.u32 s1, $0x2  }
0xbb: {  	s3 =	sand.u32 $0x4000, s31;
	s1 =	sadd.s32 s1, s30  }
0xbc: {  	s0 =	sor.u32 s3, s0;
	s1 =	sshll.u32 s1, $0x11  }
0xbd: {  	s0 =	sor.u32 s1, s0  }
0xbe: {  	s0 =	sadd.s32 $0x8F2B, s0  }
0xbf: {  	[sflag:s0] =	ssyncadd.remote.s32 $0x1  }
0xc0: {  	_ =	sfence.sel $0xFFFF  }
0xc1: {  	[dreg:$0x0] =	wrdreg $0xFFFFFFFF;
	(pc) =	sbr.abs _section_cstart, $3  }
0xc2: {  	[dreg:$0x1] =	wrdreg $0xFFFFFFFF  }
0xc3: {  	_ =	task.clear_ibuf [dreg:s8], $0x2FFFF;
	_ =	strace $0x9FFFFFFF  }
0xc4: {  	(tm) =	ssettm $0x7FFFFFFF  }
0xc5: {  	_ =	shalt  }
tec
execute0_lowered:
.L_overlay_start_1:
0x0: {  	(tag) =	ssettag $0x1  }
0x1: {  	s1 =	rddreg [dreg:$0x0]  }
0x2: {  	s0 =	rddreg [dreg:$0x1]  }
0x3: {  	s5 =	rddreg [dreg:$0x2];
	s3 =	simm.s32 $0x0;
	s4 =	srdreg.scid  }
0x4: {  	s2 =	stileid.u32;
	s10 =	simm.s32 $0x200;
	s11 =	simm.s32 $0xA00  }
0x5: {  	s12 =	simm.s32 $0x1200;
	s13 =	simm.s32 $0x1A00;
	s14 =	simm.s32 $0x2200  }
0x6: {  	s15 =	simm.s32 $0x2A00;
	s16 =	simm.s32 $0x3200;
	s17 =	simm.s32 $0x3A00  }
0x7: {  	s18 =	simm.s32 $0x4200;
	s19 =	simm.s32 $0x4A00;
	s20 =	simm.s32 $0x5200  }
0x8: {  	s21 =	simm.s32 $0x5A00;
	s22 =	simm.s32 $0x6200;
	s23 =	simm.s32 $0x6A00  }
0x9: {  	s28 =	simm.s32 $0x8A00;
	s29 =	simm.s32 $0x9200;
	s30 =	simm.s32 $0x9A00  }
0xa: {  	[smem:$0x7FF] =	sst s3;
	s4 =	sand.u32 $0x1, s4;
	s6 =	sshll.u32 s2, $0x1  }
0xb: {  	s31 =	simm.s32 $0x1;
	_ =	strace $0x80000047;
	s6 =	sor.u32 s4, s6  }
0xc: {  	s4 =	ssub.s32 $0x2, s4;
	s7 =	sshll.u32 s6, $0x6;
	s8 =	smul.u32 $0x14000, s6  }
0xd: {  	s24 =	sshrl.u32 s4, $0x1;
	s6 =	smul.u32 $0x2800, s6;
	s0 =	sadd.s32 s7, s0  }
0xe: {  	s9 =	ssub.s32 s4, s24;
	s24 =	simm.s32 $0x7200;
	s0 =	sadd.s32 $0x1A00, s0  }
0xf: {  	s25 =	sshrl.u32 s8, $0x3;
	s4 =	sadd.s32 s5, s6;
	s8 =	smax.u32 s9, $0x1  }
0x10: {  	v2 =	vlaneseq.u32;
	s9 =	simm.s32 $0x3;
	[dreg:$0x4] =	wrdreg s0;
	s26 =	sadd.s32 s5, s25  }
0x11: {  	vm0 =	vmmov $0xffff;
	v1 =	vshrl.u32 v2, $0x3;
	s25 =	simm.s32 $0x7A00;
	s0 =	simm.s32 $0x2;
	s5 =	sadd.s32 $0xA00, s26  }
0x12: {  	v0 =	vand.u32 $0x7, v2;
	v2 =	vor.u32 $0x8, v2;
	v1 =	vmul.u32 $0x8, v1;
	s6 =	sadd.s32 $0x1400, s26;
	s7 =	sadd.s32 $0x1E00, s26;
	s26 =	simm.s32 $0x8200  }
.LBB2_1:
0x13: {  	s2 =	rddreg [dreg:$0x4]  }
0x14: {  	[tilespmem:s3], [sflag:$0x3] =	stream.linear.gather [hbm4b:s2+s3], $0x200, $0x38;
	[tilespmem:$0xA200] =	vst v63  }
0x15: {  	_ =	swait.ge [sflag:s9], $0x200  }
0x16: {  	[sflag:s9] =	ssyncset.done $0x0  }
0x17: {  	[sflag:s9] =	ssyncadd.s32 $0xFFFFFE00  }
0x18: {  	v3 =	vld [tilespmem:$0x0];
	_ =	sdelay $0x4  }
0x19: {  	v4 =	vshll.u32 v3, $0x1  }
0x1a: {  	v3 =	vand.u32 $0x7, v3;
	v4 =	vand.u32 $0xFFFFFFF0, v4  }
0x1b: {  	v3 =	vor.u32 v3, v4  }
0x1c: {  	v4 =	vperm.xlane v3, v0;
	_ =	sdelay $0x1  }
0x1d: {  	v3 =	vperm.xlane v3, v2;
	v4 =	vadd.s32 v1, v4;
	_ =	sdelay $0x1  }
0x1e: {  	v3 =	vadd.s32 v1, v3;
	_ =	sdelay $0x2  }
0x1f: {  	[tilespmem:s10], [sflag:$0x1] =	stream.indirect_vreg.gather [hbm4b:s1+s3], $0x80, v4, vm0, $0xb8;
	[tilespmem:$0xA200] =	vst v63  }
0x20: {  	_ = 	snop  }
0x21: {  	[tilespmem:s11], [sflag:$0x1] =	stream.indirect_vreg.gather [hbm4b:s1+s3], $0x80, v3, vm0, $0xb8;
	[tilespmem:$0xA200] =	vst v63  }
0x22: {  	v3 =	vld [tilespmem:$0x10];
	_ =	sdelay $0x4  }
0x23: {  	v45 =	vshll.u32 v3, $0x1  }
0x24: {  	v3 =	vand.u32 $0x7, v3;
	v4 =	vand.u32 $0xFFFFFFF0, v45  }
0x25: {  	v3 =	vor.u32 v3, v4  }
0x26: {  	v4 =	vperm.xlane v3, v0;
	_ =	sdelay $0x1  }
0x27: {  	v3 =	vperm.xlane v3, v2;
	v4 =	vadd.s32 v1, v4;
	_ =	sdelay $0x1  }
0x28: {  	v3 =	vadd.s32 v1, v3;
	_ =	sdelay $0x2  }
0x29: {  	[tilespmem:s12], [sflag:$0x1] =	stream.indirect_vreg.gather [hbm4b:s1+s3], $0x80, v4, vm0, $0xb8;
	[tilespmem:$0xA200] =	vst v63  }
0x2a: {  	_ = 	snop  }
0x2b: {  	[tilespmem:s13], [sflag:$0x1] =	stream.indirect_vreg.gather [hbm4b:s1+s3], $0x80, v3, vm0, $0xb8;
	[tilespmem:$0xA200] =	vst v63  }
0x2c: {  	v3 =	vld [tilespmem:$0x20];
	_ =	sdelay $0x4  }
0x2d: {  	v46 =	vshll.u32 v3, $0x1  }
0x2e: {  	v3 =	vand.u32 $0x7, v3;
	v4 =	vand.u32 $0xFFFFFFF0, v46  }
0x2f: {  	v3 =	vor.u32 v3, v4  }
0x30: {  	v4 =	vperm.xlane v3, v0;
	_ =	sdelay $0x1  }
0x31: {  	v3 =	vperm.xlane v3, v2;
	v4 =	vadd.s32 v1, v4;
	_ =	sdelay $0x1  }
0x32: {  	v3 =	vadd.s32 v1, v3;
	_ =	sdelay $0x2  }
0x33: {  	[tilespmem:s14], [sflag:$0x1] =	stream.indirect_vreg.gather [hbm4b:s1+s3], $0x80, v4, vm0, $0xb8;
	[tilespmem:$0xA200] =	vst v63  }
0x34: {  	_ = 	snop  }
0x35: {  	[tilespmem:s15], [sflag:$0x1] =	stream.indirect_vreg.gather [hbm4b:s1+s3], $0x80, v3, vm0, $0xb8;
	[tilespmem:$0xA200] =	vst v63  }
0x36: {  	v3 =	vld [tilespmem:$0x30];
	_ =	sdelay $0x4  }
0x37: {  	v47 =	vshll.u32 v3, $0x1  }
0x38: {  	v3 =	vand.u32 $0x7, v3;
	v4 =	vand.u32 $0xFFFFFFF0, v47  }
0x39: {  	v3 =	vor.u32 v3, v4  }
0x3a: {  	v4 =	vperm.xlane v3, v0;
	_ =	sdelay $0x1  }
0x3b: {  	v3 =	vperm.xlane v3, v2;
	v4 =	vadd.s32 v1, v4;
	_ =	sdelay $0x1  }
0x3c: {  	v3 =	vadd.s32 v1, v3;
	_ =	sdelay $0x2  }
0x3d: {  	[tilespmem:s16], [sflag:$0x1] =	stream.indirect_vreg.gather [hbm4b:s1+s3], $0x80, v4, vm0, $0xb8;
	[tilespmem:$0xA200] =	vst v63  }
0x3e: {  	_ = 	snop  }
0x3f: {  	[tilespmem:s17], [sflag:$0x1] =	stream.indirect_vreg.gather [hbm4b:s1+s3], $0x80, v3, vm0, $0xb8;
	[tilespmem:$0xA200] =	vst v63  }
0x40: {  	v3 =	vld [tilespmem:$0x40];
	_ =	sdelay $0x4  }
0x41: {  	v48 =	vshll.u32 v3, $0x1  }
0x42: {  	v3 =	vand.u32 $0x7, v3;
	v4 =	vand.u32 $0xFFFFFFF0, v48  }
0x43: {  	v3 =	vor.u32 v3, v4  }
0x44: {  	v4 =	vperm.xlane v3, v0;
	_ =	sdelay $0x1  }
0x45: {  	v3 =	vperm.xlane v3, v2;
	v4 =	vadd.s32 v1, v4;
	_ =	sdelay $0x1  }
0x46: {  	v3 =	vadd.s32 v1, v3;
	_ =	sdelay $0x2  }
0x47: {  	[tilespmem:s18], [sflag:$0x1] =	stream.indirect_vreg.gather [hbm4b:s1+s3], $0x80, v4, vm0, $0xb8;
	[tilespmem:$0xA200] =	vst v63  }
0x48: {  	_ = 	snop  }
0x49: {  	[tilespmem:s19], [sflag:$0x1] =	stream.indirect_vreg.gather [hbm4b:s1+s3], $0x80, v3, vm0, $0xb8;
	[tilespmem:$0xA200] =	vst v63  }
0x4a: {  	v3 =	vld [tilespmem:$0x80];
	_ =	sdelay $0x4  }
0x4b: {  	v49 =	vshll.u32 v3, $0x1  }
0x4c: {  	v3 =	vand.u32 $0x7, v3;
	v4 =	vand.u32 $0xFFFFFFF0, v49  }
0x4d: {  	v3 =	vor.u32 v3, v4  }
0x4e: {  	v4 =	vperm.xlane v3, v0;
	_ =	sdelay $0x1  }
0x4f: {  	v3 =	vperm.xlane v3, v2;
	v4 =	vadd.s32 v1, v4;
	_ =	sdelay $0x1  }
0x50: {  	v3 =	vadd.s32 v1, v3;
	_ =	sdelay $0x2  }
0x51: {  	[tilespmem:s20], [sflag:$0x2] =	stream.indirect_vreg.gather [hbm4b:s1+s3], $0x80, v4, vm0, $0xb8;
	[tilespmem:$0xA200] =	vst v63  }
0x52: {  	_ = 	snop  }
0x53: {  	[tilespmem:s21], [sflag:$0x2] =	stream.indirect_vreg.gather [hbm4b:s1+s3], $0x80, v3, vm0, $0xb8;
	[tilespmem:$0xA200] =	vst v63  }
0x54: {  	v3 =	vld [tilespmem:$0x90];
	_ =	sdelay $0x4  }
0x55: {  	v50 =	vshll.u32 v3, $0x1  }
0x56: {  	v3 =	vand.u32 $0x7, v3;
	v4 =	vand.u32 $0xFFFFFFF0, v50  }
0x57: {  	v3 =	vor.u32 v3, v4  }
0x58: {  	v4 =	vperm.xlane v3, v0;
	_ =	sdelay $0x1  }
0x59: {  	v3 =	vperm.xlane v3, v2;
	v4 =	vadd.s32 v1, v4;
	_ =	sdelay $0x1  }
0x5a: {  	v3 =	vadd.s32 v1, v3;
	_ =	sdelay $0x2  }
0x5b: {  	[tilespmem:s22], [sflag:$0x2] =	stream.indirect_vreg.gather [hbm4b:s1+s3], $0x80, v4, vm0, $0xb8;
	[tilespmem:$0xA200] =	vst v63  }
0x5c: {  	_ = 	snop  }
0x5d: {  	[tilespmem:s23], [sflag:$0x2] =	stream.indirect_vreg.gather [hbm4b:s1+s3], $0x80, v3, vm0, $0xb8;
	[tilespmem:$0xA200] =	vst v63  }
0x5e: {  	v3 =	vld [tilespmem:$0xA0];
	_ =	sdelay $0x4  }
0x5f: {  	v51 =	vshll.u32 v3, $0x1  }
0x60: {  	v3 =	vand.u32 $0x7, v3;
	v4 =	vand.u32 $0xFFFFFFF0, v51  }
0x61: {  	v3 =	vor.u32 v3, v4  }
0x62: {  	v4 =	vperm.xlane v3, v0;
	_ =	sdelay $0x1  }
0x63: {  	v3 =	vperm.xlane v3, v2;
	v4 =	vadd.s32 v1, v4;
	_ =	sdelay $0x1  }
0x64: {  	v3 =	vadd.s32 v1, v3;
	_ =	sdelay $0x2  }
0x65: {  	[tilespmem:s24], [sflag:$0x2] =	stream.indirect_vreg.gather [hbm4b:s1+s3], $0x80, v4, vm0, $0xb8;
	[tilespmem:$0xA200] =	vst v63  }
0x66: {  	_ = 	snop  }
0x67: {  	[tilespmem:s25], [sflag:$0x2] =	stream.indirect_vreg.gather [hbm4b:s1+s3], $0x80, v3, vm0, $0xb8;
	[tilespmem:$0xA200] =	vst v63  }
0x68: {  	v3 =	vld [tilespmem:$0xB0];
	_ =	sdelay $0x4  }
0x69: {  	v52 =	vshll.u32 v3, $0x1  }
0x6a: {  	v3 =	vand.u32 $0x7, v3;
	v4 =	vand.u32 $0xFFFFFFF0, v52  }
0x6b: {  	v3 =	vor.u32 v3, v4  }
0x6c: {  	v4 =	vperm.xlane v3, v0;
	_ =	sdelay $0x1  }
0x6d: {  	v3 =	vperm.xlane v3, v2;
	v4 =	vadd.s32 v1, v4;
	_ =	sdelay $0x1  }
0x6e: {  	v3 =	vadd.s32 v1, v3;
	_ =	sdelay $0x2  }
0x6f: {  	[tilespmem:s26], [sflag:$0x2] =	stream.indirect_vreg.gather [hbm4b:s1+s3], $0x80, v4, vm0, $0xb8;
	[tilespmem:$0xA200] =	vst v63  }
0x70: {  	_ = 	snop  }
0x71: {  	[tilespmem:s28], [sflag:$0x2] =	stream.indirect_vreg.gather [hbm4b:s1+s3], $0x80, v3, vm0, $0xb8;
	[tilespmem:$0xA200] =	vst v63  }
0x72: {  	v3 =	vld [tilespmem:$0xC0];
	_ =	sdelay $0x4  }
0x73: {  	v53 =	vshll.u32 v3, $0x1  }
0x74: {  	v3 =	vand.u32 $0x7, v3;
	v4 =	vand.u32 $0xFFFFFFF0, v53  }
0x75: {  	v3 =	vor.u32 v3, v4  }
0x76: {  	v4 =	vperm.xlane v3, v0;
	_ =	sdelay $0x1  }
0x77: {  	v3 =	vperm.xlane v3, v2;
	v4 =	vadd.s32 v1, v4;
	_ =	sdelay $0x1  }
0x78: {  	v3 =	vadd.s32 v1, v3;
	_ =	sdelay $0x2  }
0x79: {  	[tilespmem:s29], [sflag:$0x2] =	stream.indirect_vreg.gather [hbm4b:s1+s3], $0x80, v4, vm0, $0xb8;
	[tilespmem:$0xA200] =	vst v63  }
0x7a: {  	_ = 	snop  }
0x7b: {  	[tilespmem:s30], [sflag:$0x2] =	stream.indirect_vreg.gather [hbm4b:s1+s3], $0x80, v3, vm0, $0xb8;
	[tilespmem:$0xA200] =	vst v63  }
0x7c: {  	_ =	swait.ge [sflag:s31], $0x5000  }
0x7d: {  	[sflag:s31] =	ssyncset.done $0x0  }
0x7e: {  	[sflag:s31] =	ssyncadd.s32 $0xFFFFB000  }
0x7f: {  	[hbm4b:s4+s3] =	stream.linear.scatter [tilespmem:s10], [sflag:$0x3], $0x5000, $0x38;
	[tilespmem:$0xA200] =	vst v63  }
0x80: {  	_ =	swait.ge [sflag:s9], $0x5000  }
0x81: {  	[sflag:s9] =	ssyncset.done $0x0  }
0x82: {  	[sflag:s9] =	ssyncadd.s32 $0xFFFFB000  }
0x83: {  	v3 =	vld [tilespmem:$0x100];
	_ =	sdelay $0x4  }
0x84: {  	v54 =	vshll.u32 v3, $0x1  }
0x85: {  	v3 =	vand.u32 $0x7, v3;
	v4 =	vand.u32 $0xFFFFFFF0, v54  }
0x86: {  	v3 =	vor.u32 v3, v4  }
0x87: {  	v4 =	vperm.xlane v3, v0;
	_ =	sdelay $0x1  }
0x88: {  	v3 =	vperm.xlane v3, v2;
	v4 =	vadd.s32 v1, v4;
	_ =	sdelay $0x1  }
0x89: {  	v3 =	vadd.s32 v1, v3;
	_ =	sdelay $0x2  }
0x8a: {  	[tilespmem:s10], [sflag:$0x1] =	stream.indirect_vreg.gather [hbm4b:s1+s3], $0x80, v4, vm0, $0xb8;
	[tilespmem:$0xA200] =	vst v63  }
0x8b: {  	_ = 	snop  }
0x8c: {  	[tilespmem:s11], [sflag:$0x1] =	stream.indirect_vreg.gather [hbm4b:s1+s3], $0x80, v3, vm0, $0xb8;
	[tilespmem:$0xA200] =	vst v63  }
0x8d: {  	v3 =	vld [tilespmem:$0x110];
	_ =	sdelay $0x4  }
0x8e: {  	v55 =	vshll.u32 v3, $0x1  }
0x8f: {  	v3 =	vand.u32 $0x7, v3;
	v4 =	vand.u32 $0xFFFFFFF0, v55  }
0x90: {  	v3 =	vor.u32 v3, v4  }
0x91: {  	v4 =	vperm.xlane v3, v0;
	_ =	sdelay $0x1  }
0x92: {  	v3 =	vperm.xlane v3, v2;
	v4 =	vadd.s32 v1, v4;
	_ =	sdelay $0x1  }
0x93: {  	v3 =	vadd.s32 v1, v3;
	_ =	sdelay $0x2  }
0x94: {  	[tilespmem:s12], [sflag:$0x1] =	stream.indirect_vreg.gather [hbm4b:s1+s3], $0x80, v4, vm0, $0xb8;
	[tilespmem:$0xA200] =	vst v63  }
0x95: {  	_ = 	snop  }
0x96: {  	[tilespmem:s13], [sflag:$0x1] =	stream.indirect_vreg.gather [hbm4b:s1+s3], $0x80, v3, vm0, $0xb8;
	[tilespmem:$0xA200] =	vst v63  }
0x97: {  	v3 =	vld [tilespmem:$0x120];
	_ =	sdelay $0x4  }
0x98: {  	v56 =	vshll.u32 v3, $0x1  }
0x99: {  	v3 =	vand.u32 $0x7, v3;
	v4 =	vand.u32 $0xFFFFFFF0, v56  }
0x9a: {  	v3 =	vor.u32 v3, v4  }
0x9b: {  	v4 =	vperm.xlane v3, v0;
	_ =	sdelay $0x1  }
0x9c: {  	v3 =	vperm.xlane v3, v2;
	v4 =	vadd.s32 v1, v4;
	_ =	sdelay $0x1  }
0x9d: {  	v3 =	vadd.s32 v1, v3;
	_ =	sdelay $0x2  }
0x9e: {  	[tilespmem:s14], [sflag:$0x1] =	stream.indirect_vreg.gather [hbm4b:s1+s3], $0x80, v4, vm0, $0xb8;
	[tilespmem:$0xA200] =	vst v63  }
0x9f: {  	_ = 	snop  }
0xa0: {  	[tilespmem:s15], [sflag:$0x1] =	stream.indirect_vreg.gather [hbm4b:s1+s3], $0x80, v3, vm0, $0xb8;
	[tilespmem:$0xA200] =	vst v63  }
0xa1: {  	v3 =	vld [tilespmem:$0x130];
	_ =	sdelay $0x4  }
0xa2: {  	v57 =	vshll.u32 v3, $0x1  }
0xa3: {  	v3 =	vand.u32 $0x7, v3;
	v4 =	vand.u32 $0xFFFFFFF0, v57  }
0xa4: {  	v3 =	vor.u32 v3, v4  }
0xa5: {  	v4 =	vperm.xlane v3, v0;
	_ =	sdelay $0x1  }
0xa6: {  	v3 =	vperm.xlane v3, v2;
	v4 =	vadd.s32 v1, v4;
	_ =	sdelay $0x1  }
0xa7: {  	v3 =	vadd.s32 v1, v3;
	_ =	sdelay $0x2  }
0xa8: {  	[tilespmem:s16], [sflag:$0x1] =	stream.indirect_vreg.gather [hbm4b:s1+s3], $0x80, v4, vm0, $0xb8;
	[tilespmem:$0xA200] =	vst v63  }
0xa9: {  	_ = 	snop  }
0xaa: {  	[tilespmem:s17], [sflag:$0x1] =	stream.indirect_vreg.gather [hbm4b:s1+s3], $0x80, v3, vm0, $0xb8;
	[tilespmem:$0xA200] =	vst v63  }
0xab: {  	v3 =	vld [tilespmem:$0x140];
	_ =	sdelay $0x4  }
0xac: {  	v58 =	vshll.u32 v3, $0x1  }
0xad: {  	v3 =	vand.u32 $0x7, v3;
	v4 =	vand.u32 $0xFFFFFFF0, v58  }
0xae: {  	v3 =	vor.u32 v3, v4  }
0xaf: {  	v4 =	vperm.xlane v3, v0;
	_ =	sdelay $0x1  }
0xb0: {  	v3 =	vperm.xlane v3, v2;
	v4 =	vadd.s32 v1, v4;
	_ =	sdelay $0x1  }
0xb1: {  	v3 =	vadd.s32 v1, v3;
	_ =	sdelay $0x2  }
0xb2: {  	[tilespmem:s18], [sflag:$0x1] =	stream.indirect_vreg.gather [hbm4b:s1+s3], $0x80, v4, vm0, $0xb8;
	[tilespmem:$0xA200] =	vst v63  }
0xb3: {  	_ = 	snop  }
0xb4: {  	[tilespmem:s19], [sflag:$0x1] =	stream.indirect_vreg.gather [hbm4b:s1+s3], $0x80, v3, vm0, $0xb8;
	[tilespmem:$0xA200] =	vst v63  }
0xb5: {  	_ =	swait.ge [sflag:s0], $0x5000  }
0xb6: {  	[sflag:s0] =	ssyncset.done $0x0  }
0xb7: {  	[sflag:s0] =	ssyncadd.s32 $0xFFFFB000  }
0xb8: {  	[hbm4b:s5+s3] =	stream.linear.scatter [tilespmem:s20], [sflag:$0x3], $0x5000, $0x38;
	[tilespmem:$0xA200] =	vst v63  }
0xb9: {  	_ =	swait.ge [sflag:s9], $0x5000  }
0xba: {  	[sflag:s9] =	ssyncset.done $0x0  }
0xbb: {  	[sflag:s9] =	ssyncadd.s32 $0xFFFFB000  }
0xbc: {  	v3 =	vld [tilespmem:$0x180];
	_ =	sdelay $0x4  }
0xbd: {  	v59 =	vshll.u32 v3, $0x1  }
0xbe: {  	v3 =	vand.u32 $0x7, v3;
	v4 =	vand.u32 $0xFFFFFFF0, v59  }
0xbf: {  	v3 =	vor.u32 v3, v4  }
0xc0: {  	v4 =	vperm.xlane v3, v0;
	_ =	sdelay $0x1  }
0xc1: {  	v3 =	vperm.xlane v3, v2;
	v4 =	vadd.s32 v1, v4;
	_ =	sdelay $0x1  }
0xc2: {  	v3 =	vadd.s32 v1, v3;
	_ =	sdelay $0x2  }
0xc3: {  	[tilespmem:s20], [sflag:$0x2] =	stream.indirect_vreg.gather [hbm4b:s1+s3], $0x80, v4, vm0, $0xb8;
	[tilespmem:$0xA200] =	vst v63  }
0xc4: {  	_ = 	snop  }
0xc5: {  	[tilespmem:s21], [sflag:$0x2] =	stream.indirect_vreg.gather [hbm4b:s1+s3], $0x80, v3, vm0, $0xb8;
	[tilespmem:$0xA200] =	vst v63  }
0xc6: {  	v3 =	vld [tilespmem:$0x190];
	_ =	sdelay $0x4  }
0xc7: {  	v60 =	vshll.u32 v3, $0x1  }
0xc8: {  	v3 =	vand.u32 $0x7, v3;
	v4 =	vand.u32 $0xFFFFFFF0, v60  }
0xc9: {  	v3 =	vor.u32 v3, v4  }
0xca: {  	v4 =	vperm.xlane v3, v0;
	_ =	sdelay $0x1  }
0xcb: {  	v3 =	vperm.xlane v3, v2;
	v4 =	vadd.s32 v1, v4;
	_ =	sdelay $0x1  }
0xcc: {  	v3 =	vadd.s32 v1, v3;
	_ =	sdelay $0x2  }
0xcd: {  	[tilespmem:s22], [sflag:$0x2] =	stream.indirect_vreg.gather [hbm4b:s1+s3], $0x80, v4, vm0, $0xb8;
	[tilespmem:$0xA200] =	vst v63  }
0xce: {  	_ = 	snop  }
0xcf: {  	[tilespmem:s23], [sflag:$0x2] =	stream.indirect_vreg.gather [hbm4b:s1+s3], $0x80, v3, vm0, $0xb8;
	[tilespmem:$0xA200] =	vst v63  }
0xd0: {  	v3 =	vld [tilespmem:$0x1A0];
	_ =	sdelay $0x4  }
0xd1: {  	v61 =	vshll.u32 v3, $0x1  }
0xd2: {  	v3 =	vand.u32 $0x7, v3;
	v4 =	vand.u32 $0xFFFFFFF0, v61  }
0xd3: {  	v3 =	vor.u32 v3, v4  }
0xd4: {  	v4 =	vperm.xlane v3, v0;
	_ =	sdelay $0x1  }
0xd5: {  	v3 =	vperm.xlane v3, v2;
	v4 =	vadd.s32 v1, v4;
	_ =	sdelay $0x1  }
0xd6: {  	v3 =	vadd.s32 v1, v3;
	_ =	sdelay $0x2  }
0xd7: {  	[tilespmem:s24], [sflag:$0x2] =	stream.indirect_vreg.gather [hbm4b:s1+s3], $0x80, v4, vm0, $0xb8;
	[tilespmem:$0xA200] =	vst v63  }
0xd8: {  	_ = 	snop  }
0xd9: {  	[tilespmem:s25], [sflag:$0x2] =	stream.indirect_vreg.gather [hbm4b:s1+s3], $0x80, v3, vm0, $0xb8;
	[tilespmem:$0xA200] =	vst v63  }
0xda: {  	v3 =	vld [tilespmem:$0x1B0];
	_ =	sdelay $0x4  }
0xdb: {  	v62 =	vshll.u32 v3, $0x1  }
0xdc: {  	v3 =	vand.u32 $0x7, v3;
	v4 =	vand.u32 $0xFFFFFFF0, v62  }
0xdd: {  	v3 =	vor.u32 v3, v4  }
0xde: {  	v4 =	vperm.xlane v3, v0;
	_ =	sdelay $0x1  }
0xdf: {  	v3 =	vperm.xlane v3, v2;
	v4 =	vadd.s32 v1, v4;
	_ =	sdelay $0x1  }
0xe0: {  	v3 =	vadd.s32 v1, v3;
	_ =	sdelay $0x2  }
0xe1: {  	[tilespmem:s26], [sflag:$0x2] =	stream.indirect_vreg.gather [hbm4b:s1+s3], $0x80, v4, vm0, $0xb8;
	[tilespmem:$0xA200] =	vst v63  }
0xe2: {  	_ = 	snop  }
0xe3: {  	[tilespmem:s28], [sflag:$0x2] =	stream.indirect_vreg.gather [hbm4b:s1+s3], $0x80, v3, vm0, $0xb8;
	[tilespmem:$0xA200] =	vst v63  }
0xe4: {  	v3 =	vld [tilespmem:$0x1C0];
	_ =	sdelay $0x4  }
0xe5: {  	v63 =	vshll.u32 v3, $0x1  }
0xe6: {  	v3 =	vand.u32 $0x7, v3;
	v4 =	vand.u32 $0xFFFFFFF0, v63  }
0xe7: {  	v3 =	vor.u32 v3, v4  }
0xe8: {  	v4 =	vperm.xlane v3, v0;
	_ =	sdelay $0x1  }
0xe9: {  	v3 =	vperm.xlane v3, v2;
	v4 =	vadd.s32 v1, v4;
	_ =	sdelay $0x1  }
0xea: {  	v3 =	vadd.s32 v1, v3;
	_ =	sdelay $0x2  }
0xeb: {  	[tilespmem:s29], [sflag:$0x2] =	stream.indirect_vreg.gather [hbm4b:s1+s3], $0x80, v4, vm0, $0xb8;
	[tilespmem:$0xA200] =	vst v63  }
0xec: {  	_ = 	snop  }
0xed: {  	[tilespmem:s30], [sflag:$0x2] =	stream.indirect_vreg.gather [hbm4b:s1+s3], $0x80, v3, vm0, $0xb8;
	[tilespmem:$0xA200] =	vst v63  }
0xee: {  	_ =	swait.ge [sflag:s31], $0x5000  }
0xef: {  	[sflag:s31] =	ssyncset.done $0x0  }
0xf0: {  	[sflag:s31] =	ssyncadd.s32 $0xFFFFB000  }
0xf1: {  	[hbm4b:s6+s3] =	stream.linear.scatter [tilespmem:s10], [sflag:$0x3], $0x5000, $0x38;
	[tilespmem:$0xA200] =	vst v63  }
0xf2: {  	_ =	swait.ge [sflag:s9], $0x5000  }
0xf3: {  	[sflag:s9] =	ssyncset.done $0x0  }
0xf4: {  	[sflag:s9] =	ssyncadd.s32 $0xFFFFB000  }
0xf5: {  	_ =	swait.ge [sflag:s0], $0x5000  }
0xf6: {  	p0 =	sne.s32 s8, $0x1;
	[sflag:s0] =	ssyncset.done $0x0  }
.Ltmp0:
0xf7: {  	[sflag:s0] =	ssyncadd.s32 $0xFFFFB000;
	(pc) =	sbr.rel @p0 .LBB2_1-.Ltmp0, $4  }
0xf8: {  	[hbm4b:s7+s3] =	stream.linear.scatter [tilespmem:s20], [sflag:$0x3], $0x5000, $0x38;
	[tilespmem:$0xA200] =	vst v63  }
0xf9: {  	_ =	swait.ge [sflag:s9], $0x5000  }
0xfa: {  	[sflag:s9] =	ssyncset.done $0x0  }
0xfb: {  	s8 =	sadd.s32 $0xFFFFFFFF, s8;
	[sflag:s9] =	ssyncadd.s32 $0xFFFFB000  }
0xfc: {  	_ =	sfence.sel $0x180000  }
0xfd: {  	[bflag:$0x0] =	sbarrier.arrive $0xFFFF  }
0xfe: {  	_ =	strace $0x90000047  }
0xff: {  	s0 =	stileid.u32;
	[bflag:$0x2] =	sbarrier.arrive $0xFFFF  }
0x100: {  	p0 =	sne.s32 s0, $0x0;
	s0 =	rddreg [dreg:$0x3]  }
0x101: {  	s0 =	sadd.s32 @!p0 $0x100000, s0  }
0x102: {  	[sflag:s0] =	ssyncadd.tile.s32 @!p0 $0x1;
	_ =	shalt  }
.Lfunc_end2:
_tile_overlayer_lowered:
.L_overlay_start_2:
0x103: {  	(tag) =	ssettag $0x2  }
0x104: {  	s0 =	rddreg [dreg:$0x0];
	s2 =	stileid.u32  }
0x105: {  	s1 =	rddreg [dreg:$0x1];
	p0 =	sne.s32 s2, $0x0  }
0x106: {  	s3 =	rddreg [dreg:$0x2];
	[bflag:$0x3] =	sbarrier.arrive $0xFFFF;
	s2 =	simm.s32 @!p0 $0x1C03  }
0x107: {  	[timem:s3], [sflag:s2] =	dma.local @!p0 [hbm:s0], s1  }
0x108: {  	s0 =	simm.s32 @!p0 $0x3  }
0x109: {  	_ =	swait.ge @!p0 [sflag:s0], s1  }
0x10a: {  	s1 =	ssub.s32 @!p0 $0x0, s1;
	[sflag:s0] =	ssyncset.done @!p0 $0x0  }
0x10b: {  	[sflag:s0] =	ssyncadd.s32 @!p0 s1  }
0x10c: {  	[bflag:$0x3] =	sbarrier.arrive $0xFFFF  }
0x10d: {  	_ =	shalt  }

// kernel: kernel.9.cloned.1.call-start
scs
__scs_entry_jumppad:
0x0: {  	(pc) =	sbr.rel $0x88, $3  }
0x1: {  	(tag) =	ssettag $0x0;
	lr =	simm.s32 $0x1  }
0x2: {  	[smem:$0x3F9A] =	sst lr;
	_ =	strace $0xD0000000  }
0x3: {  	_ = 	snop  }
0x4: {  	_ = 	snop  }
0x5: {  	_ = 	snop  }
0x6: {  	_ = 	snop  }
0x7: {  	_ = 	snop  }
__scs_overlays_trampoline_lowered:
0x8: {  	[smem:$0x3FA9] =	sst s0  }
0x9: {  	[smem:$0x3FAA] =	sst s1  }
0xa: {  	[smem:$0x3FAB] =	sst s2  }
0xb: {  	[smem:$0x3FAC] =	sst s3  }
0xc: {  	[smem:$0x3FAD] =	sst s4  }
0xd: {  	[smem:$0x3FAE] =	sst s5  }
0xe: {  	[smem:$0x3FAF] =	sst s6  }
0xf: {  	[smem:$0x3FB0] =	sst s7  }
0x10: {  	[smem:$0x3FB1] =	sst s8  }
0x11: {  	[smem:$0x3FB2] =	sst s9;
	s0 =	simm.s32 @!p0 $0x0  }
0x12: {  	s1 =	sld [smem:$0x3F98];
	s0 =	simm.s32 @p0 $0x1  }
0x13: {  	[smem:$0x3FB3] =	sst s0;
	s0 =	simm.s32 @!p1 $0x0  }
0x14: {  	s2 =	sld [smem:$0x3F97];
	s0 =	simm.s32 @p1 $0x1  }
0x15: {  	[smem:$0x3FB4] =	sst s0;
	s0 =	simm.s32 @!p2 $0x0  }
0x16: {  	s3 =	sld [smem:$0x3FDB];
	s0 =	simm.s32 @p2 $0x1  }
0x17: {  	s4 =	simm.s32 $0x1BF5;
	[smem:$0x3FB6] =	sst s0  }
0x18: {  	s0 =	sld [smem:$0x3F99];
	_ =	swait.ge [sflag:s4], $0x0  }
0x19: {  	s7 =	sld [smem:$0x3F9A]  }
0x1a: {  	s8 =	sadd.s32 $0xFFFFE003, lr  }
0x1b: {  	s9 =	sadd.s32 $0xFFFFFEF7, lr;
	s5 =	simm.s32 $0xFFFFFFFF;
	p2 =	slt.u32 s8, $0xFFFFF086  }
0x1c: {  	p1 =	slt.u32 s9, $0xF7A;
	s5 =	simm.s32 @!p2 $0x0  }
0x1d: {  	s5 =	simm.s32 @p1 $0x1;
	p0 =	seq.s32 s7, s2  }
0x1e: {  	s7 =	smul.u32 @!p0 $0xF7A, s2;
	p2 =	seq.s32 @!p0 s5, $0x0  }
0x1f: {  	s9 =	smul.u32 $0xF7A, s1;
	s8 =	simm.s32 @!p0 $0x1BF5;
	p2 =	por !p2, p0  }
0x20: {  	[sflag:s8] =	ssyncset.s32 @!p0 $0xFFFFF086;
	s6 =	sadd.s32 @!p0 s3, s7;
	s7 =	simm.s32 @!p0 $0x108  }
0x21: {  	s3 =	sadd.s32 s3, s9;
	s6 =	sadd.s32 @!p0 $0x88, s6;
	s7 =	simm.s32 @p2 $0x1082  }
0x22: {  	[simem:s7], [sflag:s8] =	dma.local @!p0 [hbm:s6], $0xF7A  }
0x23: {  	s9 =	sor.u32 $0xD0000000, s2;
	s6 =	simm.s32 $0x108;
	_ =	swait.ge @!p0 [sflag:s8], $0x0  }
0x24: {  	s3 =	sadd.s32 $0x88, s3;
	s6 =	simm.s32 @!p1 $0x1082;
	[sflag:s4] =	ssyncset.s32 $0xFFFFF086  }
0x25: {  	[simem:s6], [sflag:s4] =	dma.local [hbm:s3], $0xF7A  }
0x26: {  	[smem:$0x3F9A] =	sst s1;
	(tag) =	ssettag s2;
	_ =	strace s9  }
0x27: {  	s1 =	sld [smem:$0x3FAA]  }
0x28: {  	s2 =	sld [smem:$0x3FAB]  }
0x29: {  	s4 =	sld [smem:$0x3FAD]  }
0x2a: {  	p0 =	seq.s32 s5, $0x0;
	s5 =	sld [smem:$0x3FAE]  }
0x2b: {  	s6 =	sld [smem:$0x3FAF]  }
0x2c: {  	s7 =	sld [smem:$0x3FB0]  }
0x2d: {  	s3 =	simm.s32 $0x108;
	s8 =	sld [smem:$0x3FB1]  }
0x2e: {  	s3 =	simm.s32 @!p0 $0x1082;
	s9 =	sld [smem:$0x3FB2]  }
0x2f: {  	lr =	sadd.s32 s0, s3;
	s0 =	sld [smem:$0x3FA9]  }
0x30: {  	s3 =	sld [smem:$0x3FAC]  }
0x31: {  	[smem:$0x3FB5] =	sst s10  }
0x32: {  	s10 =	sld [smem:$0x3FB3];
	_ =	sdelay $0x3  }
0x33: {  	p0 =	seq.s32 s10, $0x1;
	s10 =	sld [smem:$0x3FB5];
	_ =	sdelay $0x3  }
0x34: {  	[smem:$0x3FB5] =	sst s10  }
0x35: {  	s10 =	sld [smem:$0x3FB4];
	_ =	sdelay $0x3  }
0x36: {  	p1 =	seq.s32 s10, $0x1;
	s10 =	sld [smem:$0x3FB5];
	_ =	sdelay $0x3  }
0x37: {  	[smem:$0x3FB5] =	sst s10  }
0x38: {  	s10 =	sld [smem:$0x3FB6]  }
0x39: {  	_ = 	snop;
	(pc) =	sbr.ind lr, $3  }
0x3a: {  	_ = 	snop  }
0x3b: {  	_ = 	snop  }
0x3c: {  	p2 =	seq.s32 s10, $0x1;
	s10 =	sld [smem:$0x3FB5]  }
0x3d: {  	_ =	shalt  }
0x3e: {  	_ =	shalt  }
0x3f: {  	_ =	shalt  }
0x40: {  	_ =	shalt  }
0x41: {  	_ =	shalt  }
0x42: {  	_ =	shalt  }
0x43: {  	_ =	shalt  }
0x44: {  	_ =	shalt  }
0x45: {  	_ =	shalt  }
0x46: {  	_ =	shalt  }
0x47: {  	_ =	shalt  }
0x48: {  	_ =	shalt  }
0x49: {  	_ =	shalt  }
0x4a: {  	_ =	shalt  }
0x4b: {  	_ =	shalt  }
0x4c: {  	_ =	shalt  }
0x4d: {  	_ =	shalt  }
0x4e: {  	_ =	shalt  }
0x4f: {  	_ =	shalt  }
0x50: {  	_ =	shalt  }
0x51: {  	_ =	shalt  }
0x52: {  	_ =	shalt  }
0x53: {  	_ =	shalt  }
0x54: {  	_ =	shalt  }
0x55: {  	_ =	shalt  }
0x56: {  	_ =	shalt  }
0x57: {  	_ =	shalt  }
0x58: {  	_ =	shalt  }
0x59: {  	_ =	shalt  }
0x5a: {  	_ =	shalt  }
0x5b: {  	_ =	shalt  }
0x5c: {  	_ =	shalt  }
0x5d: {  	_ =	shalt  }
0x5e: {  	_ =	shalt  }
0x5f: {  	_ =	shalt  }
0x60: {  	_ =	shalt  }
0x61: {  	_ =	shalt  }
0x62: {  	_ =	shalt  }
0x63: {  	_ =	shalt  }
0x64: {  	_ =	shalt  }
0x65: {  	_ =	shalt  }
0x66: {  	_ =	shalt  }
0x67: {  	_ =	shalt  }
0x68: {  	_ =	shalt  }
0x69: {  	_ =	shalt  }
0x6a: {  	_ =	shalt  }
0x6b: {  	_ =	shalt  }
0x6c: {  	_ =	shalt  }
0x6d: {  	_ =	shalt  }
0x6e: {  	_ =	shalt  }
0x6f: {  	_ =	shalt  }
0x70: {  	_ =	shalt  }
0x71: {  	_ =	shalt  }
0x72: {  	_ =	shalt  }
0x73: {  	_ =	shalt  }
0x74: {  	_ =	shalt  }
0x75: {  	_ =	shalt  }
0x76: {  	_ =	shalt  }
0x77: {  	_ =	shalt  }
0x78: {  	_ =	shalt  }
0x79: {  	_ =	shalt  }
0x7a: {  	_ =	shalt  }
0x7b: {  	_ =	shalt  }
0x7c: {  	_ =	shalt  }
0x7d: {  	_ =	shalt  }
0x7e: {  	_ =	shalt  }
0x7f: {  	_ =	shalt  }
0x80: {  	_ =	shalt  }
0x81: {  	_ =	shalt  }
0x82: {  	_ =	shalt  }
0x83: {  	_ =	shalt  }
0x84: {  	_ =	shalt  }
0x85: {  	_ =	shalt  }
0x86: {  	_ =	shalt  }
0x87: {  	_ =	shalt  }
.Lfunc_end0:
.L_simem_size_0:
called_computation.1_lowered:
.L_overlay_start_0:
0x88: {  	s2 =	sld [smem:$0x3FD9]  }
0x89: {  	s3 =	sld [smem:$0x3FFE];
	_ =	sdelay $0x1  }
0x8a: {  	s1 =	srdreg.scid  }
0x8b: {  	s0 =	sand.u32 $0x1, s1  }
0x8c: {  	s17 =	sshll.u32 s0, $0xA;
	s2 =	sadd.s32 s3, s2  }
0x8d: {  	s2 =	sadd.s32 s2, s17  }
0x8e: {  	[smem:$0x3FC1] =	sst s2  }
0x8f: {  	_ = 	snop  }
0x90: {  	s18 =	sld [smem:$0x3FC7];
	(tm) =	ssettm $0x1  }
0x91: {  	s19 =	sld [smem:$0x3FFB];
	_ =	sdelay $0x3  }
0x92: {  	_ =	strace s19  }
0x93: {  	s2 =	sld [smem:$0x3FFC];
	_ =	sdelay $0x3  }
0x94: {  	_ =	strace s2  }
0x95: {  	s2 =	sld [smem:$0x3FFD];
	_ =	sdelay $0x3  }
0x96: {  	_ =	strace s2  }
0x97: {  	_ =	strace $0x8FFFFFFF  }
0x98: {  	s20 =	sld [smem:$0x3FDB];
	_ =	sdelay $0x1  }
0x99: {  	s4 =	simm.s32 $_scs_section_size  }
0x9a: {  	s5 =	simm.s32 $_size__tile_overlayer_lowered;
	s6 =	simm.s32 $_tile_overlayer_lowered  }
0x9b: {  	s7 =	simm.s32 $0x1BFF;
	s21 =	sshll.u32 s6, $0x1;
	s4 =	sadd.s32 s4, s20  }
0x9c: {  	s22 =	simm.s32 $0x0;
	s5 =	sshll.u32 s5, $0x1;
	s6 =	sadd.s32 s21, s4  }
0x9d: {  	[timem:s22], [sflag:s7] =	dma.local [hbm:s6], s5  }
0x9e: {  	_ =	swait.ge [sflag:s7], s5  }
0x9f: {  	s5 =	ssub.s32 $0x0, s5;
	[sflag:s7] =	ssyncset.done $0x0  }
0xa0: {  	[sflag:s7] =	ssyncadd.s32 s5;
	_ =	sdelay $0x1  }
0xa1: {  	s23 =	simm.s32 $0x1B8B  }
0xa2: {  	_ =	swait.ge [sflag:s23], $0x1  }
0xa3: {  	[sflag:s23] =	ssyncset.done $0x0  }
0xa4: {  	[sflag:s23] =	ssyncadd.s32 $0xFFFFFFFF  }
0xa5: {  	s5 =	sld [smem:$0x0]  }
0xa6: {  	s6 =	sand.u32 $0xFFFFFFFE, s1  }
0xa7: {  	p0 =	sne.s32 s1, s6  }
0xa8: {  	s6 =	sshll.u32 @p0 s6, $0xE  }
0xa9: {  	s6 =	sadd.s32 @p0 $0x11B8D, s6;
	s7 =	sshll.u32 @p0 s5, $0x11  }
0xaa: {  	s6 =	sor.u32 @p0 s7, s6  }
0xab: {  	[sflag:s6] =	ssyncadd.remote.s32 @p0 $0x1;
	_ =	sdelay $0x1  }
0xac: {  	s6 =	simm.s32 @p0 $0x1B8D  }
0xad: {  	_ =	swait.eq @p0 [sflag:s6], $0x1  }
0xae: {  	[sflag:s6] =	ssyncadd.s32 @p0 $0xFFFFFFFF  }
0xaf: {  	s7 =	sshll.u32 @!p0 s1, $0xE  }
0xb0: {  	s7 =	sor.u32 @!p0 $0x4000, s7;
	s6 =	simm.s32 @!p0 $0x1B8D  }
0xb1: {  	s5 =	sshll.u32 @!p0 s5, $0x11;
	s7 =	sadd.s32 @!p0 $0x11B8D, s7;
	_ =	swait.eq @!p0 [sflag:s6], $0x1  }
0xb2: {  	s5 =	sor.u32 @!p0 s5, s7;
	[sflag:s6] =	ssyncadd.s32 @!p0 $0xFFFFFFFF  }
0xb3: {  	s25 =	simm.s32 $0x1B8E;
	s24 =	sld [smem:$0x3FFE];
	[sflag:s5] =	ssyncadd.remote.s32 @!p0 $0x1  }
0xb4: {  	s26 =	simm.s32 $execute0_lowered;
	[smem:$0x3FD2] =	sst s25  }
0xb5: {  	s6 =	sshll.u32 s26, $0x1;
	_ =	strace $0x80000049;
	[dreg:$0x1] =	wrdreg $0xFFFFFFFF  }
0xb6: {  	s28 =	simm.s32 $_size_execute0_lowered;
	s4 =	sadd.s32 s4, s6;
	[dreg:$0x0] =	wrdreg $0x0  }
0xb7: {  	s6 =	sshll.u32 s28, $0x1;
	[dreg:$0x2] =	wrdreg s4  }
0xb8: {  	[dreg:$0x3] =	wrdreg s6  }
0xb9: {  	[dreg:$0x4] =	wrdreg $0xC0  }
0xba: {  	_ =	task [dreg:s22], $0x5FFFF  }
0xbb: {  	[dreg:$0x1] =	wrdreg $0xFFFFFFFF  }
0xbc: {  	[dreg:$0x0] =	wrdreg $0x60  }
0xbd: {  	[dreg:$0x2] =	wrdreg s18  }
0xbe: {  	[dreg:$0x3] =	wrdreg s24  }
0xbf: {  	[dreg:$0x4] =	wrdreg $0xA  }
0xc0: {  	_ =	task.clear_ibuf [dreg:s22], $0x5FFFF;
	_ =	strace $0x90000049  }
0xc1: {  	s29 =	simm.s32 $0xA;
	_ =	strace $0x8000004B  }
0xc2: {  	_ =	swait.ge [sflag:s29], $0x1  }
0xc3: {  	[sflag:s29] =	ssyncadd.s32 $0xFFFFFFFF  }
0xc4: {  	_ =	strace $0x9000004B  }
0xc5: {  	_ =	sfence  }
0xc6: {  	s30 =	sld [smem:$0x0];
	_ =	sdelay $0x2  }
0xc7: {  	s31 =	sshll.u32 s1, $0xD;
	s1 =	sshrl.u32 s1, $0x2  }
0xc8: {  	s4 =	sand.u32 $0x4000, s31;
	s1 =	sadd.s32 s1, s30  }
0xc9: {  	s0 =	sor.u32 s4, s0;
	s1 =	sshll.u32 s1, $0x11  }
0xca: {  	s0 =	sor.u32 s1, s0  }
0xcb: {  	s0 =	sadd.s32 $0x8F2B, s0  }
0xcc: {  	[sflag:s0] =	ssyncadd.remote.s32 $0x1  }
0xcd: {  	_ =	sfence.sel $0xFFFF  }
0xce: {  	[dreg:$0x0] =	wrdreg $0xFFFFFFFF;
	(pc) =	sbr.abs _section_cstart, $3  }
0xcf: {  	[dreg:$0x1] =	wrdreg $0xFFFFFFFF  }
0xd0: {  	_ =	task.clear_ibuf [dreg:s22], $0x2FFFF;
	_ =	strace $0x9FFFFFFF  }
0xd1: {  	(tm) =	ssettm $0x7FFFFFFF  }
tec
execute0_lowered:
.L_overlay_start_1:
0x0: {  	(tag) =	ssettag $0x1  }
0x1: {  	s2 =	rddreg [dreg:$0x0]  }
0x2: {  	s0 =	rddreg [dreg:$0x1]  }
0x3: {  	s4 =	srdreg.scid;
	s1 =	stileid.u32;
	s3 =	simm.s32 $0x0  }
0x4: {  	s9 =	simm.s32 $0x3;
	s10 =	simm.s32 $0x200;
	s11 =	simm.s32 $0xA00  }
0x5: {  	s12 =	simm.s32 $0x1200;
	s13 =	simm.s32 $0x1A00;
	s14 =	simm.s32 $0x2200  }
0x6: {  	s15 =	simm.s32 $0x2A00;
	s16 =	simm.s32 $0x3200;
	s17 =	simm.s32 $0x3A00  }
0x7: {  	s18 =	simm.s32 $0x4200;
	s19 =	simm.s32 $0x4A00;
	s20 =	simm.s32 $0x5200  }
0x8: {  	s21 =	simm.s32 $0x5A00;
	s22 =	simm.s32 $0x6200;
	s23 =	simm.s32 $0x6A00  }
0x9: {  	s24 =	simm.s32 $0x7200;
	s28 =	simm.s32 $0x8A00;
	s29 =	simm.s32 $0x9200  }
0xa: {  	s30 =	simm.s32 $0x9A00;
	s4 =	sand.u32 $0x1, s4;
	s5 =	sshll.u32 s1, $0x1  }
0xb: {  	s31 =	simm.s32 $0x1;
	[smem:$0x7FF] =	sst s3;
	s5 =	sor.u32 s4, s5  }
0xc: {  	_ =	strace $0x8000004A;
	s4 =	ssub.s32 $0x2, s4;
	s7 =	smul.u32 $0x14000, s5  }
0xd: {  	s6 =	sshll.u32 s5, $0x6;
	s8 =	sshrl.u32 s4, $0x1;
	s5 =	smul.u32 $0x2800, s5  }
0xe: {  	s6 =	sadd.s32 s6, s0;
	s0 =	sadd.s32 $0x2A00, s0;
	s8 =	ssub.s32 s4, s8  }
0xf: {  	s25 =	sadd.s32 $0x2200, s6;
	s26 =	sshrl.u32 s7, $0x3;
	s4 =	sadd.s32 s0, s5  }
0x10: {  	v2 =	vlaneseq.u32;
	s8 =	smax.u32 s8, $0x1;
	[dreg:$0x3] =	wrdreg s25;
	s0 =	sadd.s32 s0, s26  }
0x11: {  	vm0 =	vmmov $0xffff;
	v1 =	vshrl.u32 v2, $0x3;
	s25 =	simm.s32 $0x7A00;
	s26 =	simm.s32 $0x8200;
	s5 =	sadd.s32 $0xA00, s0  }
0x12: {  	v0 =	vand.u32 $0x7, v2;
	v2 =	vor.u32 $0x8, v2;
	v1 =	vmul.u32 $0x8, v1;
	s6 =	sadd.s32 $0x1400, s0;
	s7 =	sadd.s32 $0x1E00, s0;
	s0 =	simm.s32 $0x2  }
.LBB2_1:
0x13: {  	s1 =	rddreg [dreg:$0x3]  }
0x14: {  	[tilespmem:s3], [sflag:$0x3] =	stream.linear.gather [hbm4b:s1+s3], $0x200, $0x38;
	[tilespmem:$0xA200] =	vst v63  }
0x15: {  	_ =	swait.ge [sflag:s9], $0x200  }
0x16: {  	[sflag:s9] =	ssyncset.done $0x0  }
0x17: {  	[sflag:s9] =	ssyncadd.s32 $0xFFFFFE00  }
0x18: {  	v3 =	vld [tilespmem:$0x0];
	_ =	sdelay $0x4  }
0x19: {  	v4 =	vshll.u32 v3, $0x1  }
0x1a: {  	v3 =	vand.u32 $0x7, v3;
	v4 =	vand.u32 $0xFFFFFFF0, v4  }
0x1b: {  	v3 =	vor.u32 v3, v4  }
0x1c: {  	v4 =	vperm.xlane v3, v0;
	_ =	sdelay $0x1  }
0x1d: {  	v3 =	vperm.xlane v3, v2;
	v4 =	vadd.s32 v1, v4;
	_ =	sdelay $0x1  }
0x1e: {  	v3 =	vadd.s32 v1, v3;
	_ =	sdelay $0x2  }
0x1f: {  	[tilespmem:s10], [sflag:$0x1] =	stream.indirect_vreg.gather [hbm4b:s2+s3], $0x80, v4, vm0, $0xb8;
	[tilespmem:$0xA200] =	vst v63  }
0x20: {  	_ = 	snop  }
0x21: {  	[tilespmem:s11], [sflag:$0x1] =	stream.indirect_vreg.gather [hbm4b:s2+s3], $0x80, v3, vm0, $0xb8;
	[tilespmem:$0xA200] =	vst v63  }
0x22: {  	v3 =	vld [tilespmem:$0x10];
	_ =	sdelay $0x4  }
0x23: {  	v45 =	vshll.u32 v3, $0x1  }
0x24: {  	v3 =	vand.u32 $0x7, v3;
	v4 =	vand.u32 $0xFFFFFFF0, v45  }
0x25: {  	v3 =	vor.u32 v3, v4  }
0x26: {  	v4 =	vperm.xlane v3, v0;
	_ =	sdelay $0x1  }
0x27: {  	v3 =	vperm.xlane v3, v2;
	v4 =	vadd.s32 v1, v4;
	_ =	sdelay $0x1  }
0x28: {  	v3 =	vadd.s32 v1, v3;
	_ =	sdelay $0x2  }
0x29: {  	[tilespmem:s12], [sflag:$0x1] =	stream.indirect_vreg.gather [hbm4b:s2+s3], $0x80, v4, vm0, $0xb8;
	[tilespmem:$0xA200] =	vst v63  }
0x2a: {  	_ = 	snop  }
0x2b: {  	[tilespmem:s13], [sflag:$0x1] =	stream.indirect_vreg.gather [hbm4b:s2+s3], $0x80, v3, vm0, $0xb8;
	[tilespmem:$0xA200] =	vst v63  }
0x2c: {  	v3 =	vld [tilespmem:$0x20];
	_ =	sdelay $0x4  }
0x2d: {  	v46 =	vshll.u32 v3, $0x1  }
0x2e: {  	v3 =	vand.u32 $0x7, v3;
	v4 =	vand.u32 $0xFFFFFFF0, v46  }
0x2f: {  	v3 =	vor.u32 v3, v4  }
0x30: {  	v4 =	vperm.xlane v3, v0;
	_ =	sdelay $0x1  }
0x31: {  	v3 =	vperm.xlane v3, v2;
	v4 =	vadd.s32 v1, v4;
	_ =	sdelay $0x1  }
0x32: {  	v3 =	vadd.s32 v1, v3;
	_ =	sdelay $0x2  }
0x33: {  	[tilespmem:s14], [sflag:$0x1] =	stream.indirect_vreg.gather [hbm4b:s2+s3], $0x80, v4, vm0, $0xb8;
	[tilespmem:$0xA200] =	vst v63  }
0x34: {  	_ = 	snop  }
0x35: {  	[tilespmem:s15], [sflag:$0x1] =	stream.indirect_vreg.gather [hbm4b:s2+s3], $0x80, v3, vm0, $0xb8;
	[tilespmem:$0xA200] =	vst v63  }
0x36: {  	v3 =	vld [tilespmem:$0x30];
	_ =	sdelay $0x4  }
0x37: {  	v47 =	vshll.u32 v3, $0x1  }
0x38: {  	v3 =	vand.u32 $0x7, v3;
	v4 =	vand.u32 $0xFFFFFFF0, v47  }
0x39: {  	v3 =	vor.u32 v3, v4  }
0x3a: {  	v4 =	vperm.xlane v3, v0;
	_ =	sdelay $0x1  }
0x3b: {  	v3 =	vperm.xlane v3, v2;
	v4 =	vadd.s32 v1, v4;
	_ =	sdelay $0x1  }
0x3c: {  	v3 =	vadd.s32 v1, v3;
	_ =	sdelay $0x2  }
0x3d: {  	[tilespmem:s16], [sflag:$0x1] =	stream.indirect_vreg.gather [hbm4b:s2+s3], $0x80, v4, vm0, $0xb8;
	[tilespmem:$0xA200] =	vst v63  }
0x3e: {  	_ = 	snop  }
0x3f: {  	[tilespmem:s17], [sflag:$0x1] =	stream.indirect_vreg.gather [hbm4b:s2+s3], $0x80, v3, vm0, $0xb8;
	[tilespmem:$0xA200] =	vst v63  }
0x40: {  	v3 =	vld [tilespmem:$0x40];
	_ =	sdelay $0x4  }
0x41: {  	v48 =	vshll.u32 v3, $0x1  }
0x42: {  	v3 =	vand.u32 $0x7, v3;
	v4 =	vand.u32 $0xFFFFFFF0, v48  }
0x43: {  	v3 =	vor.u32 v3, v4  }
0x44: {  	v4 =	vperm.xlane v3, v0;
	_ =	sdelay $0x1  }
0x45: {  	v3 =	vperm.xlane v3, v2;
	v4 =	vadd.s32 v1, v4;
	_ =	sdelay $0x1  }
0x46: {  	v3 =	vadd.s32 v1, v3;
	_ =	sdelay $0x2  }
0x47: {  	[tilespmem:s18], [sflag:$0x1] =	stream.indirect_vreg.gather [hbm4b:s2+s3], $0x80, v4, vm0, $0xb8;
	[tilespmem:$0xA200] =	vst v63  }
0x48: {  	_ = 	snop  }
0x49: {  	[tilespmem:s19], [sflag:$0x1] =	stream.indirect_vreg.gather [hbm4b:s2+s3], $0x80, v3, vm0, $0xb8;
	[tilespmem:$0xA200] =	vst v63  }
0x4a: {  	v3 =	vld [tilespmem:$0x80];
	_ =	sdelay $0x4  }
0x4b: {  	v49 =	vshll.u32 v3, $0x1  }
0x4c: {  	v3 =	vand.u32 $0x7, v3;
	v4 =	vand.u32 $0xFFFFFFF0, v49  }
0x4d: {  	v3 =	vor.u32 v3, v4  }
0x4e: {  	v4 =	vperm.xlane v3, v0;
	_ =	sdelay $0x1  }
0x4f: {  	v3 =	vperm.xlane v3, v2;
	v4 =	vadd.s32 v1, v4;
	_ =	sdelay $0x1  }
0x50: {  	v3 =	vadd.s32 v1, v3;
	_ =	sdelay $0x2  }
0x51: {  	[tilespmem:s20], [sflag:$0x2] =	stream.indirect_vreg.gather [hbm4b:s2+s3], $0x80, v4, vm0, $0xb8;
	[tilespmem:$0xA200] =	vst v63  }
0x52: {  	_ = 	snop  }
0x53: {  	[tilespmem:s21], [sflag:$0x2] =	stream.indirect_vreg.gather [hbm4b:s2+s3], $0x80, v3, vm0, $0xb8;
	[tilespmem:$0xA200] =	vst v63  }
0x54: {  	v3 =	vld [tilespmem:$0x90];
	_ =	sdelay $0x4  }
0x55: {  	v50 =	vshll.u32 v3, $0x1  }
0x56: {  	v3 =	vand.u32 $0x7, v3;
	v4 =	vand.u32 $0xFFFFFFF0, v50  }
0x57: {  	v3 =	vor.u32 v3, v4  }
0x58: {  	v4 =	vperm.xlane v3, v0;
	_ =	sdelay $0x1  }
0x59: {  	v3 =	vperm.xlane v3, v2;
	v4 =	vadd.s32 v1, v4;
	_ =	sdelay $0x1  }
0x5a: {  	v3 =	vadd.s32 v1, v3;
	_ =	sdelay $0x2  }
0x5b: {  	[tilespmem:s22], [sflag:$0x2] =	stream.indirect_vreg.gather [hbm4b:s2+s3], $0x80, v4, vm0, $0xb8;
	[tilespmem:$0xA200] =	vst v63  }
0x5c: {  	_ = 	snop  }
0x5d: {  	[tilespmem:s23], [sflag:$0x2] =	stream.indirect_vreg.gather [hbm4b:s2+s3], $0x80, v3, vm0, $0xb8;
	[tilespmem:$0xA200] =	vst v63  }
0x5e: {  	v3 =	vld [tilespmem:$0xA0];
	_ =	sdelay $0x4  }
0x5f: {  	v51 =	vshll.u32 v3, $0x1  }
0x60: {  	v3 =	vand.u32 $0x7, v3;
	v4 =	vand.u32 $0xFFFFFFF0, v51  }
0x61: {  	v3 =	vor.u32 v3, v4  }
0x62: {  	v4 =	vperm.xlane v3, v0;
	_ =	sdelay $0x1  }
0x63: {  	v3 =	vperm.xlane v3, v2;
	v4 =	vadd.s32 v1, v4;
	_ =	sdelay $0x1  }
0x64: {  	v3 =	vadd.s32 v1, v3;
	_ =	sdelay $0x2  }
0x65: {  	[tilespmem:s24], [sflag:$0x2] =	stream.indirect_vreg.gather [hbm4b:s2+s3], $0x80, v4, vm0, $0xb8;
	[tilespmem:$0xA200] =	vst v63  }
0x66: {  	_ = 	snop  }
0x67: {  	[tilespmem:s25], [sflag:$0x2] =	stream.indirect_vreg.gather [hbm4b:s2+s3], $0x80, v3, vm0, $0xb8;
	[tilespmem:$0xA200] =	vst v63  }
0x68: {  	v3 =	vld [tilespmem:$0xB0];
	_ =	sdelay $0x4  }
0x69: {  	v52 =	vshll.u32 v3, $0x1  }
0x6a: {  	v3 =	vand.u32 $0x7, v3;
	v4 =	vand.u32 $0xFFFFFFF0, v52  }
0x6b: {  	v3 =	vor.u32 v3, v4  }
0x6c: {  	v4 =	vperm.xlane v3, v0;
	_ =	sdelay $0x1  }
0x6d: {  	v3 =	vperm.xlane v3, v2;
	v4 =	vadd.s32 v1, v4;
	_ =	sdelay $0x1  }
0x6e: {  	v3 =	vadd.s32 v1, v3;
	_ =	sdelay $0x2  }
0x6f: {  	[tilespmem:s26], [sflag:$0x2] =	stream.indirect_vreg.gather [hbm4b:s2+s3], $0x80, v4, vm0, $0xb8;
	[tilespmem:$0xA200] =	vst v63  }
0x70: {  	_ = 	snop  }
0x71: {  	[tilespmem:s28], [sflag:$0x2] =	stream.indirect_vreg.gather [hbm4b:s2+s3], $0x80, v3, vm0, $0xb8;
	[tilespmem:$0xA200] =	vst v63  }
0x72: {  	v3 =	vld [tilespmem:$0xC0];
	_ =	sdelay $0x4  }
0x73: {  	v53 =	vshll.u32 v3, $0x1  }
0x74: {  	v3 =	vand.u32 $0x7, v3;
	v4 =	vand.u32 $0xFFFFFFF0, v53  }
0x75: {  	v3 =	vor.u32 v3, v4  }
0x76: {  	v4 =	vperm.xlane v3, v0;
	_ =	sdelay $0x1  }
0x77: {  	v3 =	vperm.xlane v3, v2;
	v4 =	vadd.s32 v1, v4;
	_ =	sdelay $0x1  }
0x78: {  	v3 =	vadd.s32 v1, v3;
	_ =	sdelay $0x2  }
0x79: {  	[tilespmem:s29], [sflag:$0x2] =	stream.indirect_vreg.gather [hbm4b:s2+s3], $0x80, v4, vm0, $0xb8;
	[tilespmem:$0xA200] =	vst v63  }
0x7a: {  	_ = 	snop  }
0x7b: {  	[tilespmem:s30], [sflag:$0x2] =	stream.indirect_vreg.gather [hbm4b:s2+s3], $0x80, v3, vm0, $0xb8;
	[tilespmem:$0xA200] =	vst v63  }
0x7c: {  	_ =	swait.ge [sflag:s31], $0x5000  }
0x7d: {  	[sflag:s31] =	ssyncset.done $0x0  }
0x7e: {  	[sflag:s31] =	ssyncadd.s32 $0xFFFFB000  }
0x7f: {  	[hbm4b:s4+s3] =	stream.linear.scatter [tilespmem:s10], [sflag:$0x3], $0x5000, $0x38;
	[tilespmem:$0xA200] =	vst v63  }
0x80: {  	_ =	swait.ge [sflag:s9], $0x5000  }
0x81: {  	[sflag:s9] =	ssyncset.done $0x0  }
0x82: {  	[sflag:s9] =	ssyncadd.s32 $0xFFFFB000  }
0x83: {  	v3 =	vld [tilespmem:$0x100];
	_ =	sdelay $0x4  }
0x84: {  	v54 =	vshll.u32 v3, $0x1  }
0x85: {  	v3 =	vand.u32 $0x7, v3;
	v4 =	vand.u32 $0xFFFFFFF0, v54  }
0x86: {  	v3 =	vor.u32 v3, v4  }
0x87: {  	v4 =	vperm.xlane v3, v0;
	_ =	sdelay $0x1  }
0x88: {  	v3 =	vperm.xlane v3, v2;
	v4 =	vadd.s32 v1, v4;
	_ =	sdelay $0x1  }
0x89: {  	v3 =	vadd.s32 v1, v3;
	_ =	sdelay $0x2  }
0x8a: {  	[tilespmem:s10], [sflag:$0x1] =	stream.indirect_vreg.gather [hbm4b:s2+s3], $0x80, v4, vm0, $0xb8;
	[tilespmem:$0xA200] =	vst v63  }
0x8b: {  	_ = 	snop  }
0x8c: {  	[tilespmem:s11], [sflag:$0x1] =	stream.indirect_vreg.gather [hbm4b:s2+s3], $0x80, v3, vm0, $0xb8;
	[tilespmem:$0xA200] =	vst v63  }
0x8d: {  	v3 =	vld [tilespmem:$0x110];
	_ =	sdelay $0x4  }
0x8e: {  	v55 =	vshll.u32 v3, $0x1  }
0x8f: {  	v3 =	vand.u32 $0x7, v3;
	v4 =	vand.u32 $0xFFFFFFF0, v55  }
0x90: {  	v3 =	vor.u32 v3, v4  }
0x91: {  	v4 =	vperm.xlane v3, v0;
	_ =	sdelay $0x1  }
0x92: {  	v3 =	vperm.xlane v3, v2;
	v4 =	vadd.s32 v1, v4;
	_ =	sdelay $0x1  }
0x93: {  	v3 =	vadd.s32 v1, v3;
	_ =	sdelay $0x2  }
0x94: {  	[tilespmem:s12], [sflag:$0x1] =	stream.indirect_vreg.gather [hbm4b:s2+s3], $0x80, v4, vm0, $0xb8;
	[tilespmem:$0xA200] =	vst v63  }
0x95: {  	_ = 	snop  }
0x96: {  	[tilespmem:s13], [sflag:$0x1] =	stream.indirect_vreg.gather [hbm4b:s2+s3], $0x80, v3, vm0, $0xb8;
	[tilespmem:$0xA200] =	vst v63  }
0x97: {  	v3 =	vld [tilespmem:$0x120];
	_ =	sdelay $0x4  }
0x98: {  	v56 =	vshll.u32 v3, $0x1  }
0x99: {  	v3 =	vand.u32 $0x7, v3;
	v4 =	vand.u32 $0xFFFFFFF0, v56  }
0x9a: {  	v3 =	vor.u32 v3, v4  }
0x9b: {  	v4 =	vperm.xlane v3, v0;
	_ =	sdelay $0x1  }
0x9c: {  	v3 =	vperm.xlane v3, v2;
	v4 =	vadd.s32 v1, v4;
	_ =	sdelay $0x1  }
0x9d: {  	v3 =	vadd.s32 v1, v3;
	_ =	sdelay $0x2  }
0x9e: {  	[tilespmem:s14], [sflag:$0x1] =	stream.indirect_vreg.gather [hbm4b:s2+s3], $0x80, v4, vm0, $0xb8;
	[tilespmem:$0xA200] =	vst v63  }
0x9f: {  	_ = 	snop  }
0xa0: {  	[tilespmem:s15], [sflag:$0x1] =	stream.indirect_vreg.gather [hbm4b:s2+s3], $0x80, v3, vm0, $0xb8;
	[tilespmem:$0xA200] =	vst v63  }
0xa1: {  	v3 =	vld [tilespmem:$0x130];
	_ =	sdelay $0x4  }
0xa2: {  	v57 =	vshll.u32 v3, $0x1  }
0xa3: {  	v3 =	vand.u32 $0x7, v3;
	v4 =	vand.u32 $0xFFFFFFF0, v57  }
0xa4: {  	v3 =	vor.u32 v3, v4  }
0xa5: {  	v4 =	vperm.xlane v3, v0;
	_ =	sdelay $0x1  }
0xa6: {  	v3 =	vperm.xlane v3, v2;
	v4 =	vadd.s32 v1, v4;
	_ =	sdelay $0x1  }
0xa7: {  	v3 =	vadd.s32 v1, v3;
	_ =	sdelay $0x2  }
0xa8: {  	[tilespmem:s16], [sflag:$0x1] =	stream.indirect_vreg.gather [hbm4b:s2+s3], $0x80, v4, vm0, $0xb8;
	[tilespmem:$0xA200] =	vst v63  }
0xa9: {  	_ = 	snop  }
0xaa: {  	[tilespmem:s17], [sflag:$0x1] =	stream.indirect_vreg.gather [hbm4b:s2+s3], $0x80, v3, vm0, $0xb8;
	[tilespmem:$0xA200] =	vst v63  }
0xab: {  	v3 =	vld [tilespmem:$0x140];
	_ =	sdelay $0x4  }
0xac: {  	v58 =	vshll.u32 v3, $0x1  }
0xad: {  	v3 =	vand.u32 $0x7, v3;
	v4 =	vand.u32 $0xFFFFFFF0, v58  }
0xae: {  	v3 =	vor.u32 v3, v4  }
0xaf: {  	v4 =	vperm.xlane v3, v0;
	_ =	sdelay $0x1  }
0xb0: {  	v3 =	vperm.xlane v3, v2;
	v4 =	vadd.s32 v1, v4;
	_ =	sdelay $0x1  }
0xb1: {  	v3 =	vadd.s32 v1, v3;
	_ =	sdelay $0x2  }
0xb2: {  	[tilespmem:s18], [sflag:$0x1] =	stream.indirect_vreg.gather [hbm4b:s2+s3], $0x80, v4, vm0, $0xb8;
	[tilespmem:$0xA200] =	vst v63  }
0xb3: {  	_ = 	snop  }
0xb4: {  	[tilespmem:s19], [sflag:$0x1] =	stream.indirect_vreg.gather [hbm4b:s2+s3], $0x80, v3, vm0, $0xb8;
	[tilespmem:$0xA200] =	vst v63  }
0xb5: {  	_ =	swait.ge [sflag:s0], $0x5000  }
0xb6: {  	[sflag:s0] =	ssyncset.done $0x0  }
0xb7: {  	[sflag:s0] =	ssyncadd.s32 $0xFFFFB000  }
0xb8: {  	[hbm4b:s5+s3] =	stream.linear.scatter [tilespmem:s20], [sflag:$0x3], $0x5000, $0x38;
	[tilespmem:$0xA200] =	vst v63  }
0xb9: {  	_ =	swait.ge [sflag:s9], $0x5000  }
0xba: {  	[sflag:s9] =	ssyncset.done $0x0  }
0xbb: {  	[sflag:s9] =	ssyncadd.s32 $0xFFFFB000  }
0xbc: {  	v3 =	vld [tilespmem:$0x180];
	_ =	sdelay $0x4  }
0xbd: {  	v59 =	vshll.u32 v3, $0x1  }
0xbe: {  	v3 =	vand.u32 $0x7, v3;
	v4 =	vand.u32 $0xFFFFFFF0, v59  }
0xbf: {  	v3 =	vor.u32 v3, v4  }
0xc0: {  	v4 =	vperm.xlane v3, v0;
	_ =	sdelay $0x1  }
0xc1: {  	v3 =	vperm.xlane v3, v2;
	v4 =	vadd.s32 v1, v4;
	_ =	sdelay $0x1  }
0xc2: {  	v3 =	vadd.s32 v1, v3;
	_ =	sdelay $0x2  }
0xc3: {  	[tilespmem:s20], [sflag:$0x2] =	stream.indirect_vreg.gather [hbm4b:s2+s3], $0x80, v4, vm0, $0xb8;
	[tilespmem:$0xA200] =	vst v63  }
0xc4: {  	_ = 	snop  }
0xc5: {  	[tilespmem:s21], [sflag:$0x2] =	stream.indirect_vreg.gather [hbm4b:s2+s3], $0x80, v3, vm0, $0xb8;
	[tilespmem:$0xA200] =	vst v63  }
0xc6: {  	v3 =	vld [tilespmem:$0x190];
	_ =	sdelay $0x4  }
0xc7: {  	v60 =	vshll.u32 v3, $0x1  }
0xc8: {  	v3 =	vand.u32 $0x7, v3;
	v4 =	vand.u32 $0xFFFFFFF0, v60  }
0xc9: {  	v3 =	vor.u32 v3, v4  }
0xca: {  	v4 =	vperm.xlane v3, v0;
	_ =	sdelay $0x1  }
0xcb: {  	v3 =	vperm.xlane v3, v2;
	v4 =	vadd.s32 v1, v4;
	_ =	sdelay $0x1  }
0xcc: {  	v3 =	vadd.s32 v1, v3;
	_ =	sdelay $0x2  }
0xcd: {  	[tilespmem:s22], [sflag:$0x2] =	stream.indirect_vreg.gather [hbm4b:s2+s3], $0x80, v4, vm0, $0xb8;
	[tilespmem:$0xA200] =	vst v63  }
0xce: {  	_ = 	snop  }
0xcf: {  	[tilespmem:s23], [sflag:$0x2] =	stream.indirect_vreg.gather [hbm4b:s2+s3], $0x80, v3, vm0, $0xb8;
	[tilespmem:$0xA200] =	vst v63  }
0xd0: {  	v3 =	vld [tilespmem:$0x1A0];
	_ =	sdelay $0x4  }
0xd1: {  	v61 =	vshll.u32 v3, $0x1  }
0xd2: {  	v3 =	vand.u32 $0x7, v3;
	v4 =	vand.u32 $0xFFFFFFF0, v61  }
0xd3: {  	v3 =	vor.u32 v3, v4  }
0xd4: {  	v4 =	vperm.xlane v3, v0;
	_ =	sdelay $0x1  }
0xd5: {  	v3 =	vperm.xlane v3, v2;
	v4 =	vadd.s32 v1, v4;
	_ =	sdelay $0x1  }
0xd6: {  	v3 =	vadd.s32 v1, v3;
	_ =	sdelay $0x2  }
0xd7: {  	[tilespmem:s24], [sflag:$0x2] =	stream.indirect_vreg.gather [hbm4b:s2+s3], $0x80, v4, vm0, $0xb8;
	[tilespmem:$0xA200] =	vst v63  }
0xd8: {  	_ = 	snop  }
0xd9: {  	[tilespmem:s25], [sflag:$0x2] =	stream.indirect_vreg.gather [hbm4b:s2+s3], $0x80, v3, vm0, $0xb8;
	[tilespmem:$0xA200] =	vst v63  }
0xda: {  	v3 =	vld [tilespmem:$0x1B0];
	_ =	sdelay $0x4  }
0xdb: {  	v62 =	vshll.u32 v3, $0x1  }
0xdc: {  	v3 =	vand.u32 $0x7, v3;
	v4 =	vand.u32 $0xFFFFFFF0, v62  }
0xdd: {  	v3 =	vor.u32 v3, v4  }
0xde: {  	v4 =	vperm.xlane v3, v0;
	_ =	sdelay $0x1  }
0xdf: {  	v3 =	vperm.xlane v3, v2;
	v4 =	vadd.s32 v1, v4;
	_ =	sdelay $0x1  }
0xe0: {  	v3 =	vadd.s32 v1, v3;
	_ =	sdelay $0x2  }
0xe1: {  	[tilespmem:s26], [sflag:$0x2] =	stream.indirect_vreg.gather [hbm4b:s2+s3], $0x80, v4, vm0, $0xb8;
	[tilespmem:$0xA200] =	vst v63  }
0xe2: {  	_ = 	snop  }
0xe3: {  	[tilespmem:s28], [sflag:$0x2] =	stream.indirect_vreg.gather [hbm4b:s2+s3], $0x80, v3, vm0, $0xb8;
	[tilespmem:$0xA200] =	vst v63  }
0xe4: {  	v3 =	vld [tilespmem:$0x1C0];
	_ =	sdelay $0x4  }
0xe5: {  	v63 =	vshll.u32 v3, $0x1  }
0xe6: {  	v3 =	vand.u32 $0x7, v3;
	v4 =	vand.u32 $0xFFFFFFF0, v63  }
0xe7: {  	v3 =	vor.u32 v3, v4  }
0xe8: {  	v4 =	vperm.xlane v3, v0;
	_ =	sdelay $0x1  }
0xe9: {  	v3 =	vperm.xlane v3, v2;
	v4 =	vadd.s32 v1, v4;
	_ =	sdelay $0x1  }
0xea: {  	v3 =	vadd.s32 v1, v3;
	_ =	sdelay $0x2  }
0xeb: {  	[tilespmem:s29], [sflag:$0x2] =	stream.indirect_vreg.gather [hbm4b:s2+s3], $0x80, v4, vm0, $0xb8;
	[tilespmem:$0xA200] =	vst v63  }
0xec: {  	_ = 	snop  }
0xed: {  	[tilespmem:s30], [sflag:$0x2] =	stream.indirect_vreg.gather [hbm4b:s2+s3], $0x80, v3, vm0, $0xb8;
	[tilespmem:$0xA200] =	vst v63  }
0xee: {  	_ =	swait.ge [sflag:s31], $0x5000  }
0xef: {  	[sflag:s31] =	ssyncset.done $0x0  }
0xf0: {  	[sflag:s31] =	ssyncadd.s32 $0xFFFFB000  }
0xf1: {  	[hbm4b:s6+s3] =	stream.linear.scatter [tilespmem:s10], [sflag:$0x3], $0x5000, $0x38;
	[tilespmem:$0xA200] =	vst v63  }
0xf2: {  	_ =	swait.ge [sflag:s9], $0x5000  }
0xf3: {  	[sflag:s9] =	ssyncset.done $0x0  }
0xf4: {  	[sflag:s9] =	ssyncadd.s32 $0xFFFFB000  }
0xf5: {  	_ =	swait.ge [sflag:s0], $0x5000  }
0xf6: {  	p0 =	sne.s32 s8, $0x1;
	[sflag:s0] =	ssyncset.done $0x0  }
.Ltmp0:
0xf7: {  	[sflag:s0] =	ssyncadd.s32 $0xFFFFB000;
	(pc) =	sbr.rel @p0 .LBB2_1-.Ltmp0, $4  }
0xf8: {  	[hbm4b:s7+s3] =	stream.linear.scatter [tilespmem:s20], [sflag:$0x3], $0x5000, $0x38;
	[tilespmem:$0xA200] =	vst v63  }
0xf9: {  	_ =	swait.ge [sflag:s9], $0x5000  }
0xfa: {  	[sflag:s9] =	ssyncset.done $0x0  }
0xfb: {  	s8 =	sadd.s32 $0xFFFFFFFF, s8;
	[sflag:s9] =	ssyncadd.s32 $0xFFFFB000  }
0xfc: {  	_ =	sfence.sel $0x180000  }
0xfd: {  	[bflag:$0x0] =	sbarrier.arrive $0xFFFF  }
0xfe: {  	_ =	strace $0x9000004A  }
0xff: {  	s0 =	stileid.u32;
	[bflag:$0x2] =	sbarrier.arrive $0xFFFF  }
0x100: {  	p0 =	sne.s32 s0, $0x0;
	s0 =	rddreg [dreg:$0x2]  }
0x101: {  	s0 =	sadd.s32 @!p0 $0x100000, s0  }
0x102: {  	[sflag:s0] =	ssyncadd.tile.s32 @!p0 $0x1;
	_ =	shalt  }
.Lfunc_end2:
_tile_overlayer_lowered:
.L_overlay_start_2:
0x103: {  	(tag) =	ssettag $0x2  }
0x104: {  	s0 =	rddreg [dreg:$0x0];
	s2 =	stileid.u32  }
0x105: {  	s1 =	rddreg [dreg:$0x1];
	p0 =	sne.s32 s2, $0x0  }
0x106: {  	s3 =	rddreg [dreg:$0x2];
	[bflag:$0x3] =	sbarrier.arrive $0xFFFF;
	s2 =	simm.s32 @!p0 $0x1C03  }
0x107: {  	[timem:s3], [sflag:s2] =	dma.local @!p0 [hbm:s0], s1  }
0x108: {  	s0 =	simm.s32 @!p0 $0x3  }
0x109: {  	_ =	swait.ge @!p0 [sflag:s0], s1  }
0x10a: {  	s1 =	ssub.s32 @!p0 $0x0, s1;
	[sflag:s0] =	ssyncset.done @!p0 $0x0  }
0x10b: {  	[sflag:s0] =	ssyncadd.s32 @!p0 s1  }
0x10c: {  	[bflag:$0x3] =	sbarrier.arrive $0xFFFF  }
0x10d: {  	_ =	shalt  }

</sc_bundles>
